<compile_context>
chip_gen: v7x
topology: tpu7x:2x2x1
jax: 0.10.2.dev20260603
libtpu: 0.0.44.dev20260713+nightly
codegen_flags: <defaults>
</compile_context>

<pallas_src>
import jax
import jax.numpy as jnp
from jax import lax
from jax.experimental import pallas as pl
from jax.experimental.pallas import tpu as pltpu
from jax.experimental.pallas import tpu_sc as plsc

IOU_THRESH = 0.5
SCORE_THRESH = 0.05
MAX_KEEP = 100

_N = 20000
_NP = 20480
_G = 64
_NG = _NP // _G
_NG2 = _NG // 16
_NEG = float("-inf")


def _splat_f(x):
    return jnp.full((16,), x, jnp.float32)


def _splat_i(x):
    return jnp.full((16,), x, jnp.int32)


def _sc_nms(ch, sh, lh, outf, outl,
            sc_v, x1_v, y1_v, x2_v, y2_v, lab_v, l1_v, l2_v,
            kx1_v, ky1_v, kx2_v, ky2_v, kar_v, osc_v, olb_v,
            s0, s1, s2, s3, s4, s5):
    wid = lax.axis_index("s")

    @pl.when(wid < 4)
    def _():
        iota = lax.iota(jnp.int32, 16)
        mask0 = iota == 0

        c0 = pltpu.async_copy(sh.at[wid], sc_v.at[pl.ds(0, _N)], s0)
        c1 = pltpu.async_copy(ch.at[wid * 4 + 0], x1_v, s1)
        c2 = pltpu.async_copy(ch.at[wid * 4 + 1], y1_v, s2)
        c3 = pltpu.async_copy(ch.at[wid * 4 + 2], x2_v, s3)
        c4 = pltpu.async_copy(ch.at[wid * 4 + 3], y2_v, s4)
        c5 = pltpu.async_copy(lh.at[wid], lab_v, s5)

        zf = jnp.zeros((16,), jnp.float32)
        zi = jnp.zeros((16,), jnp.int32)
        for r in range(_N // 16, _NP // 16):
            sc_v[pl.ds(r * 16, 16)] = _splat_f(_NEG)
        for r in range(8):
            kx1_v[pl.ds(r * 16, 16)] = zf
            ky1_v[pl.ds(r * 16, 16)] = zf
            kx2_v[pl.ds(r * 16, 16)] = zf
            ky2_v[pl.ds(r * 16, 16)] = zf
            kar_v[pl.ds(r * 16, 16)] = zf
            osc_v[pl.ds(r * 16, 16)] = zf
            olb_v[pl.ds(r * 16, 16)] = zi
        l2_v[pl.ds(0, 16)] = _splat_f(_NEG)
        l2_v[pl.ds(16, 16)] = _splat_f(_NEG)

        c0.wait()

        @plsc.parallel_loop(0, _NG, 1, unroll=4)
        def _build1(g):
            base = g * _G
            v0 = plsc.load_gather(sc_v, [base + iota])
            v1 = plsc.load_gather(sc_v, [base + 16 + iota])
            v2 = plsc.load_gather(sc_v, [base + 32 + iota])
            v3 = plsc.load_gather(sc_v, [base + 48 + iota])
            acc = jnp.maximum(jnp.maximum(v0, v1), jnp.maximum(v2, v3))
            plsc.store_scatter(l1_v, [_splat_i(0) + g], _splat_f(jnp.max(acc)),
                               mask=mask0)

        @plsc.parallel_loop(0, _NG2, 1, unroll=2)
        def _build2(j):
            v = plsc.load_gather(l1_v, [j * 16 + iota])
            plsc.store_scatter(l2_v, [_splat_i(0) + j], _splat_f(jnp.max(v)),
                               mask=mask0)

        c1.wait()
        c2.wait()
        c3.wait()
        c4.wait()
        c5.wait()

        la0 = l2_v[pl.ds(0, 16)]
        lb0 = l2_v[pl.ds(16, 16)]
        m0 = jnp.max(jnp.maximum(la0, lb0))

        def cond(carry):
            count, m, _, _ = carry
            return jnp.logical_and(count < MAX_KEEP, m > SCORE_THRESH)

        def body(carry):
            count, m, la, lb = carry
            mv = _splat_f(0.0) + m
            fa = plsc.all_reduce_ffs(la == mv)
            fb = plsc.all_reduce_ffs(lb == mv)
            g2v = jnp.where(fa < 16, fa, 16 + fb)
            l1v = plsc.load_gather(l1_v, [g2v * 16 + iota])
            j1 = plsc.all_reduce_ffs(l1v == mv)
            g1v = g2v * 16 + j1
            basev = g1v * _G
            idx0 = basev + iota
            idx1 = basev + 16 + iota
            idx2 = basev + 32 + iota
            idx3 = basev + 48 + iota
            sv0 = plsc.load_gather(sc_v, [idx0])
            sv1 = plsc.load_gather(sc_v, [idx1])
            sv2 = plsc.load_gather(sc_v, [idx2])
            sv3 = plsc.load_gather(sc_v, [idx3])
            f0 = plsc.all_reduce_ffs(sv0 == mv)
            f1 = plsc.all_reduce_ffs(sv1 == mv)
            f2 = plsc.all_reduce_ffs(sv2 == mv)
            f3 = plsc.all_reduce_ffs(sv3 == mv)
            off = jnp.where(f0 < 16, f0,
                            jnp.where(f1 < 16, 16 + f1,
                                      jnp.where(f2 < 16, 32 + f2, 48 + f3)))
            idxv = basev + off

            e1 = jnp.max(jnp.where(iota == j1, _NEG, l1v))
            exla = jnp.where(iota == g2v, _NEG, la)
            exlb = jnp.where(iota + 16 == g2v, _NEG, lb)
            e2 = jnp.max(jnp.maximum(exla, exlb))
            n0 = jnp.where(idx0 == idxv, _NEG, sv0)
            n1 = jnp.where(idx1 == idxv, _NEG, sv1)
            n2 = jnp.where(idx2 == idxv, _NEG, sv2)
            n3 = jnp.where(idx3 == idxv, _NEG, sv3)
            gm = jnp.max(jnp.maximum(jnp.maximum(n0, n1), jnp.maximum(n2, n3)))

            cx1 = plsc.load_gather(x1_v, [idxv])
            cy1 = plsc.load_gather(y1_v, [idxv])
            cx2 = plsc.load_gather(x2_v, [idxv])
            cy2 = plsc.load_gather(y2_v, [idxv])
            clb = plsc.load_gather(lab_v, [idxv])
            car = (cx2 - cx1) * (cy2 - cy1)

            sup = jnp.zeros((16,), jnp.bool_)
            for r in range(7):
                kx1 = kx1_v[pl.ds(r * 16, 16)]
                ky1 = ky1_v[pl.ds(r * 16, 16)]
                kx2 = kx2_v[pl.ds(r * 16, 16)]
                ky2 = ky2_v[pl.ds(r * 16, 16)]
                kar = kar_v[pl.ds(r * 16, 16)]
                xx1 = jnp.maximum(kx1, cx1)
                yy1 = jnp.maximum(ky1, cy1)
                xx2 = jnp.minimum(kx2, cx2)
                yy2 = jnp.minimum(ky2, cy2)
                w = jnp.maximum(xx2 - xx1, 0.0)
                h = jnp.maximum(yy2 - yy1, 0.0)
                inter = w * h
                iou = inter / (kar + car - inter)
                sup = jnp.logical_or(sup, iou > IOU_THRESH)
            ok = jnp.logical_not(jnp.any(sup))

            cidx = _splat_i(0) + jnp.where(ok, count, 127)
            plsc.store_scatter(kx1_v, [cidx], cx1, mask=mask0)
            plsc.store_scatter(ky1_v, [cidx], cy1, mask=mask0)
            plsc.store_scatter(kx2_v, [cidx], cx2, mask=mask0)
            plsc.store_scatter(ky2_v, [cidx], cy2, mask=mask0)
            plsc.store_scatter(kar_v, [cidx], car, mask=mask0)
            plsc.store_scatter(osc_v, [cidx], _splat_f(0.0) + m, mask=mask0)
            plsc.store_scatter(olb_v, [cidx], clb, mask=mask0)

            plsc.store_scatter(sc_v, [idxv], _splat_f(_NEG), mask=mask0)
            plsc.store_scatter(l1_v, [g1v], _splat_f(0.0) + gm, mask=mask0)
            m2 = jnp.maximum(gm, e1)
            nla = jnp.where(iota == g2v, m2, la)
            nlb = jnp.where(iota + 16 == g2v, m2, lb)
            m_next = jnp.maximum(m2, e2)

            return count + jnp.where(ok, 1, 0), m_next, nla, nlb

        lax.while_loop(cond, body, (jnp.int32(0), m0, la0, lb0))

        for r, ref in enumerate((kx1_v, ky1_v, kx2_v, ky2_v, osc_v)):
            pltpu.sync_copy(ref, outf.at[pl.ds((wid * 5 + r) * 128, 128)])
        pltpu.sync_copy(olb_v, outl.at[pl.ds(wid * 128, 128)])


def _sc_call(coords, s, lab):
    mesh = plsc.VectorSubcoreMesh(core_axis_name="c", subcore_axis_name="s",
                                  num_cores=1)
    f = pl.kernel(
        _sc_nms,
        out_type=[
            jax.ShapeDtypeStruct((4 * 5 * 128,), jnp.float32),
            jax.ShapeDtypeStruct((4 * 128,), jnp.int32),
        ],
        mesh=mesh,
        compiler_params=pltpu.CompilerParams(needs_layout_passes=False,
                                             use_tc_tiling_on_sc=False),
        scratch_types=[
            pltpu.VMEM((_NP,), jnp.float32),
            pltpu.VMEM((_N,), jnp.float32),
            pltpu.VMEM((_N,), jnp.float32),
            pltpu.VMEM((_N,), jnp.float32),
            pltpu.VMEM((_N,), jnp.float32),
            pltpu.VMEM((_N,), jnp.int32),
            pltpu.VMEM((_NG,), jnp.float32),
            pltpu.VMEM((32,), jnp.float32),
            pltpu.VMEM((128,), jnp.float32),
            pltpu.VMEM((128,), jnp.float32),
            pltpu.VMEM((128,), jnp.float32),
            pltpu.VMEM((128,), jnp.float32),
            pltpu.VMEM((128,), jnp.float32),
            pltpu.VMEM((128,), jnp.float32),
            pltpu.VMEM((128,), jnp.int32),
            pltpu.SemaphoreType.DMA,
            pltpu.SemaphoreType.DMA,
            pltpu.SemaphoreType.DMA,
            pltpu.SemaphoreType.DMA,
            pltpu.SemaphoreType.DMA,
            pltpu.SemaphoreType.DMA,
        ],
    )
    return f(coords, s, lab)


def kernel(boxes, scores, labels):
    b, n = scores.shape
    coords = jnp.moveaxis(boxes, 2, 1).reshape(b * 4, n)
    lp = labels.astype(jnp.int32)
    outf, outl = _sc_call(coords, scores, lp)
    outf = outf.reshape(b, 5, 128)
    pb = jnp.moveaxis(outf[:, 0:4, :MAX_KEEP], 1, 2)
    ps = outf[:, 4, :MAX_KEEP]
    plb = outl.reshape(b, 128)[:, :MAX_KEEP].astype(labels.dtype)
    return pb, ps, plb

# --- scband reference (transcript-rebuilt; emitter-appended) ---
"""Pipeline reference for scband-nmsmodule-15006615733118 (READ-ONLY COPY).

The authoritative reference and input builder live on the scoring server;
editing this copy changes nothing except your own understanding.
"""

import jax, jax.numpy as jnp
import numpy as np

IOU_T = 0.5
SCORE_T = 0.05
MAX_DET = 100


def setup_inputs(seed: int = 0) -> dict:
    key = jax.random.key(seed)
    k1, k2, k3 = jax.random.split(key, 3)
    boxes = jax.random.uniform(k1, (4, 20000, 4), dtype=jnp.float32)
    scores = jax.random.uniform(k2, (4, 20000), dtype=jnp.float32)
    labels = jax.random.randint(k3, (4, 20000), 0, 80).astype(jnp.int64)
    return {"boxes": boxes, "scores": scores, "labels": labels}


def _nms_one(boxes, scores):
    # Greedy hard NMS, faithful to the torch loop: repeatedly pick highest
    # remaining score, suppress boxes with IoU > IOU_T, up to MAX_DET picks.
    x1, y1, x2, y2 = boxes[:, 0], boxes[:, 1], boxes[:, 2], boxes[:, 3]
    areas = (x2 - x1) * (y2 - y1)
    n = boxes.shape[0]
    idxs = jnp.arange(n)
    active = scores > SCORE_T

    def step(active, _):
        ws = jnp.where(active, scores, -jnp.inf)
        i = jnp.argmax(ws)
        has = ws[i] > -jnp.inf
        xx1 = jnp.maximum(x1[i], x1)
        yy1 = jnp.maximum(y1[i], y1)
        xx2 = jnp.minimum(x2[i], x2)
        yy2 = jnp.minimum(y2[i], y2)
        w = jnp.maximum(xx2 - xx1, 0.0)
        h = jnp.maximum(yy2 - yy1, 0.0)
        inter = w * h
        iou = inter / (areas[i] + areas - inter)
        suppress = (iou > IOU_T) | (idxs == i)
        new_active = jnp.where(has, active & (~suppress), active)
        return new_active, (i, has)

    _, (picks, valid) = jax.lax.scan(step, active, None, length=MAX_DET)
    return picks, valid


def reference(boxes, scores, labels):
    def per_image(b, s, l):
        picks, valid = _nms_one(b, s)
        pb = jnp.where(valid[:, None], b[picks], 0.0)
        ps = jnp.where(valid, s[picks], 0.0)
        pl = jnp.where(valid, l[picks], 0)
        return pb, ps, pl

    padded_boxes, padded_scores, padded_labels = jax.vmap(per_image)(boxes, scores, labels)
    return padded_boxes, padded_scores, padded_labels

if __name__ == "__main__":
    import jax
    _d = setup_inputs()
    print(jax.jit(kernel)(*tuple(_d.values())))

</pallas_src>

<mosaic_0001>
#map = affine_map<(d0, d1) -> (0, 0)>
#map1 = affine_map<(d0, d1) -> (0)>
module attributes {stable_mosaic.version = 14 : i64} {
  func.func @_sc_nms(%arg0: i32, %arg1: i32, %arg2: memref<16x20000xf32, #tpu.memory_space<hbm>>, %arg3: memref<4x20000xf32, #tpu.memory_space<hbm>>, %arg4: memref<4x20000xi32, #tpu.memory_space<hbm>>, %arg5: memref<2560xf32, #tpu.memory_space<hbm>>, %arg6: memref<512xi32, #tpu.memory_space<hbm>>, %arg7: memref<20480xf32, #tpu.memory_space<vmem>>, %arg8: memref<20000xf32, #tpu.memory_space<vmem>>, %arg9: memref<20000xf32, #tpu.memory_space<vmem>>, %arg10: memref<20000xf32, #tpu.memory_space<vmem>>, %arg11: memref<20000xf32, #tpu.memory_space<vmem>>, %arg12: memref<20000xi32, #tpu.memory_space<vmem>>, %arg13: memref<320xf32, #tpu.memory_space<vmem>>, %arg14: memref<32xf32, #tpu.memory_space<vmem>>, %arg15: memref<128xf32, #tpu.memory_space<vmem>>, %arg16: memref<128xf32, #tpu.memory_space<vmem>>, %arg17: memref<128xf32, #tpu.memory_space<vmem>>, %arg18: memref<128xf32, #tpu.memory_space<vmem>>, %arg19: memref<128xf32, #tpu.memory_space<vmem>>, %arg20: memref<128xf32, #tpu.memory_space<vmem>>, %arg21: memref<128xi32, #tpu.memory_space<vmem>>, %arg22: memref<!tpu.dma_semaphore, #tpu.memory_space<semaphore_mem>>, %arg23: memref<!tpu.dma_semaphore, #tpu.memory_space<semaphore_mem>>, %arg24: memref<!tpu.dma_semaphore, #tpu.memory_space<semaphore_mem>>, %arg25: memref<!tpu.dma_semaphore, #tpu.memory_space<semaphore_mem>>, %arg26: memref<!tpu.dma_semaphore, #tpu.memory_space<semaphore_mem>>, %arg27: memref<!tpu.dma_semaphore, #tpu.memory_space<semaphore_mem>>) attributes {dimension_semantics = [#tpu.dimension_semantics<core_parallel>, #tpu.dimension_semantics<subcore_parallel>], iteration_bounds = array<i64: 1, 16>, scalar_prefetch = 0 : i64, scratch_operands = 21 : i64, tpu.core_type = #tpu.core_type<sc_vector_subcore>, window_params = [{transform_indices = #map}, {transform_indices = #map}, {transform_indices = #map}, {transform_indices = #map1}, {transform_indices = #map1}]} {
    %lt3A = arith.constant 4 : i32
    %lt3A_0 = arith.cmpi slt, %arg1, %lt3A : i32
    %convert_element_type3A = arith.extui %lt3A_0 : i1 to i32
    %cond3A = arith.constant 0 : i32
    %cond3A_1 = arith.cmpi ne, %convert_element_type3A, %cond3A : i32
    scf.if %cond3A_1 {
      %iota3A = tpu.iota {dimensions = array<i32: 0>} : vector<16xi32>
      %eq3A = arith.constant 0 : i32
      %eq3A_2 = vector.broadcast %eq3A : i32 to vector<16xi32>
      %eq3A_3 = arith.cmpi eq, %iota3A, %eq3A_2 : vector<16xi32>
      %dma_start3A = arith.constant 0 : i32
      %dma_start3A_4 = tpu.memref_slice %arg7[%dma_start3A] : memref<20480xf32, #tpu.memory_space<vmem>> -> memref<20000xf32, #tpu.memory_space<vmem>>
      %dma_start3A_5 = arith.constant 0 : i32
      %dma_start3A_6 = tpu.memref_slice %arg3[%arg1, %dma_start3A_5] : memref<4x20000xf32, #tpu.memory_space<hbm>> -> memref<1x20000xf32, #tpu.memory_space<hbm>>
      %dma_start3A_7 = tpu.memref_squeeze %dma_start3A_6 : memref<1x20000xf32, #tpu.memory_space<hbm>> -> memref<20000xf32, #tpu.memory_space<hbm>>
      %dma_start3A_8 = arith.constant 0 : i32
      %dma_start3A_9 = tpu.memref_slice %arg7[%dma_start3A_8] : memref<20480xf32, #tpu.memory_space<vmem>> -> memref<20000xf32, #tpu.memory_space<vmem>>
      %dma_start3A_10 = arith.constant 0 : i32
      %dma_start3A_11 = tpu.memref_slice %arg3[%arg1, %dma_start3A_10] : memref<4x20000xf32, #tpu.memory_space<hbm>> -> memref<1x20000xf32, #tpu.memory_space<hbm>>
      %dma_start3A_12 = tpu.memref_squeeze %dma_start3A_11 : memref<1x20000xf32, #tpu.memory_space<hbm>> -> memref<20000xf32, #tpu.memory_space<hbm>>
      tpu.enqueue_dma source(%dma_start3A_12 : memref<20000xf32, #tpu.memory_space<hbm>>) target(%dma_start3A_9 : memref<20000xf32, #tpu.memory_space<vmem>>) target_semaphore(%arg22 : memref<!tpu.dma_semaphore, #tpu.memory_space<semaphore_mem>>)
      %mul3A = arith.constant 4 : i32
      %mul3A_13 = arith.muli %arg1, %mul3A : i32
      %add3A = arith.constant 0 : i32
      %add3A_14 = arith.addi %mul3A_13, %add3A : i32
      %dma_start3A_15 = arith.constant 0 : i32
      %dma_start3A_16 = tpu.memref_slice %arg2[%add3A_14, %dma_start3A_15] : memref<16x20000xf32, #tpu.memory_space<hbm>> -> memref<1x20000xf32, #tpu.memory_space<hbm>>
      %dma_start3A_17 = tpu.memref_squeeze %dma_start3A_16 : memref<1x20000xf32, #tpu.memory_space<hbm>> -> memref<20000xf32, #tpu.memory_space<hbm>>
      %dma_start3A_18 = arith.constant 0 : i32
      %dma_start3A_19 = tpu.memref_slice %arg2[%add3A_14, %dma_start3A_18] : memref<16x20000xf32, #tpu.memory_space<hbm>> -> memref<1x20000xf32, #tpu.memory_space<hbm>>
      %dma_start3A_20 = tpu.memref_squeeze %dma_start3A_19 : memref<1x20000xf32, #tpu.memory_space<hbm>> -> memref<20000xf32, #tpu.memory_space<hbm>>
      tpu.enqueue_dma source(%dma_start3A_20 : memref<20000xf32, #tpu.memory_space<hbm>>) target(%arg8 : memref<20000xf32, #tpu.memory_space<vmem>>) target_semaphore(%arg23 : memref<!tpu.dma_semaphore, #tpu.memory_space<semaphore_mem>>)
      %mul3A_21 = arith.constant 4 : i32
      %mul3A_22 = arith.muli %arg1, %mul3A_21 : i32
      %add3A_23 = arith.constant 1 : i32
      %add3A_24 = arith.addi %mul3A_22, %add3A_23 : i32
      %dma_start3A_25 = arith.constant 0 : i32
      %dma_start3A_26 = tpu.memref_slice %arg2[%add3A_24, %dma_start3A_25] : memref<16x20000xf32, #tpu.memory_space<hbm>> -> memref<1x20000xf32, #tpu.memory_space<hbm>>
      %dma_start3A_27 = tpu.memref_squeeze %dma_start3A_26 : memref<1x20000xf32, #tpu.memory_space<hbm>> -> memref<20000xf32, #tpu.memory_space<hbm>>
      %dma_start3A_28 = arith.constant 0 : i32
      %dma_start3A_29 = tpu.memref_slice %arg2[%add3A_24, %dma_start3A_28] : memref<16x20000xf32, #tpu.memory_space<hbm>> -> memref<1x20000xf32, #tpu.memory_space<hbm>>
      %dma_start3A_30 = tpu.memref_squeeze %dma_start3A_29 : memref<1x20000xf32, #tpu.memory_space<hbm>> -> memref<20000xf32, #tpu.memory_space<hbm>>
      tpu.enqueue_dma source(%dma_start3A_30 : memref<20000xf32, #tpu.memory_space<hbm>>) target(%arg9 : memref<20000xf32, #tpu.memory_space<vmem>>) target_semaphore(%arg24 : memref<!tpu.dma_semaphore, #tpu.memory_space<semaphore_mem>>)
      %mul3A_31 = arith.constant 4 : i32
      %mul3A_32 = arith.muli %arg1, %mul3A_31 : i32
      %add3A_33 = arith.constant 2 : i32
      %add3A_34 = arith.addi %mul3A_32, %add3A_33 : i32
      %dma_start3A_35 = arith.constant 0 : i32
      %dma_start3A_36 = tpu.memref_slice %arg2[%add3A_34, %dma_start3A_35] : memref<16x20000xf32, #tpu.memory_space<hbm>> -> memref<1x20000xf32, #tpu.memory_space<hbm>>
      %dma_start3A_37 = tpu.memref_squeeze %dma_start3A_36 : memref<1x20000xf32, #tpu.memory_space<hbm>> -> memref<20000xf32, #tpu.memory_space<hbm>>
      %dma_start3A_38 = arith.constant 0 : i32
      %dma_start3A_39 = tpu.memref_slice %arg2[%add3A_34, %dma_start3A_38] : memref<16x20000xf32, #tpu.memory_space<hbm>> -> memref<1x20000xf32, #tpu.memory_space<hbm>>
      %dma_start3A_40 = tpu.memref_squeeze %dma_start3A_39 : memref<1x20000xf32, #tpu.memory_space<hbm>> -> memref<20000xf32, #tpu.memory_space<hbm>>
      tpu.enqueue_dma source(%dma_start3A_40 : memref<20000xf32, #tpu.memory_space<hbm>>) target(%arg10 : memref<20000xf32, #tpu.memory_space<vmem>>) target_semaphore(%arg25 : memref<!tpu.dma_semaphore, #tpu.memory_space<semaphore_mem>>)
      %mul3A_41 = arith.constant 4 : i32
      %mul3A_42 = arith.muli %arg1, %mul3A_41 : i32
      %add3A_43 = arith.constant 3 : i32
      %add3A_44 = arith.addi %mul3A_42, %add3A_43 : i32
      %dma_start3A_45 = arith.constant 0 : i32
      %dma_start3A_46 = tpu.memref_slice %arg2[%add3A_44, %dma_start3A_45] : memref<16x20000xf32, #tpu.memory_space<hbm>> -> memref<1x20000xf32, #tpu.memory_space<hbm>>
      %dma_start3A_47 = tpu.memref_squeeze %dma_start3A_46 : memref<1x20000xf32, #tpu.memory_space<hbm>> -> memref<20000xf32, #tpu.memory_space<hbm>>
      %dma_start3A_48 = arith.constant 0 : i32
      %dma_start3A_49 = tpu.memref_slice %arg2[%add3A_44, %dma_start3A_48] : memref<16x20000xf32, #tpu.memory_space<hbm>> -> memref<1x20000xf32, #tpu.memory_space<hbm>>
      %dma_start3A_50 = tpu.memref_squeeze %dma_start3A_49 : memref<1x20000xf32, #tpu.memory_space<hbm>> -> memref<20000xf32, #tpu.memory_space<hbm>>
      tpu.enqueue_dma source(%dma_start3A_50 : memref<20000xf32, #tpu.memory_space<hbm>>) target(%arg11 : memref<20000xf32, #tpu.memory_space<vmem>>) target_semaphore(%arg26 : memref<!tpu.dma_semaphore, #tpu.memory_space<semaphore_mem>>)
      %dma_start3A_51 = arith.constant 0 : i32
      %dma_start3A_52 = tpu.memref_slice %arg4[%arg1, %dma_start3A_51] : memref<4x20000xi32, #tpu.memory_space<hbm>> -> memref<1x20000xi32, #tpu.memory_space<hbm>>
      %dma_start3A_53 = tpu.memref_squeeze %dma_start3A_52 : memref<1x20000xi32, #tpu.memory_space<hbm>> -> memref<20000xi32, #tpu.memory_space<hbm>>
      %dma_start3A_54 = arith.constant 0 : i32
      %dma_start3A_55 = tpu.memref_slice %arg4[%arg1, %dma_start3A_54] : memref<4x20000xi32, #tpu.memory_space<hbm>> -> memref<1x20000xi32, #tpu.memory_space<hbm>>
      %dma_start3A_56 = tpu.memref_squeeze %dma_start3A_55 : memref<1x20000xi32, #tpu.memory_space<hbm>> -> memref<20000xi32, #tpu.memory_space<hbm>>
      tpu.enqueue_dma source(%dma_start3A_56 : memref<20000xi32, #tpu.memory_space<hbm>>) target(%arg12 : memref<20000xi32, #tpu.memory_space<vmem>>) target_semaphore(%arg27 : memref<!tpu.dma_semaphore, #tpu.memory_space<semaphore_mem>>)
      %broadcast_in_dim3A = arith.constant 0.000000e+00 : f32
      %broadcast_in_dim3A_57 = vector.broadcast %broadcast_in_dim3A : f32 to vector<16xf32>
      %broadcast_in_dim3A_58 = arith.constant 0 : i32
      %broadcast_in_dim3A_59 = vector.broadcast %broadcast_in_dim3A_58 : i32 to vector<16xi32>
      %broadcast_in_dim3A_60 = arith.constant 0xFF800000 : f32
      %broadcast_in_dim3A_61 = vector.broadcast %broadcast_in_dim3A_60 : f32 to vector<16xf32>
      %swap3A = arith.constant 20000 : index
      %swap3A_62 = tpu.vector_load %arg7[%swap3A] {strides = array<i32>} : memref<20480xf32, #tpu.memory_space<vmem>>, vector<16xf32>,
      tpu.vector_store %arg7[%swap3A], %broadcast_in_dim3A_61 {strides = array<i32>} : memref<20480xf32, #tpu.memory_space<vmem>>, vector<16xf32>,
      %broadcast_in_dim3A_63 = arith.constant 0xFF800000 : f32
      %broadcast_in_dim3A_64 = vector.broadcast %broadcast_in_dim3A_63 : f32 to vector<16xf32>
      %swap3A_65 = arith.constant 20016 : index
      %swap3A_66 = tpu.vector_load %arg7[%swap3A_65] {strides = array<i32>} : memref<20480xf32, #tpu.memory_space<vmem>>, vector<16xf32>,
      tpu.vector_store %arg7[%swap3A_65], %broadcast_in_dim3A_64 {strides = array<i32>} : memref<20480xf32, #tpu.memory_space<vmem>>, vector<16xf32>,
      %broadcast_in_dim3A_67 = arith.constant 0xFF800000 : f32
      %broadcast_in_dim3A_68 = vector.broadcast %broadcast_in_dim3A_67 : f32 to vector<16xf32>
      %swap3A_69 = arith.constant 20032 : index
      %swap3A_70 = tpu.vector_load %arg7[%swap3A_69] {strides = array<i32>} : memref<20480xf32, #tpu.memory_space<vmem>>, vector<16xf32>,
      tpu.vector_store %arg7[%swap3A_69], %broadcast_in_dim3A_68 {strides = array<i32>} : memref<20480xf32, #tpu.memory_space<vmem>>, vector<16xf32>,
      %broadcast_in_dim3A_71 = arith.constant 0xFF800000 : f32
      %broadcast_in_dim3A_72 = vector.broadcast %broadcast_in_dim3A_71 : f32 to vector<16xf32>
      %swap3A_73 = arith.constant 20048 : index
      %swap3A_74 = tpu.vector_load %arg7[%swap3A_73] {strides = array<i32>} : memref<20480xf32, #tpu.memory_space<vmem>>, vector<16xf32>,
      tpu.vector_store %arg7[%swap3A_73], %broadcast_in_dim3A_72 {strides = array<i32>} : memref<20480xf32, #tpu.memory_space<vmem>>, vector<16xf32>,
      %broadcast_in_dim3A_75 = arith.constant 0xFF800000 : f32
      %broadcast_in_dim3A_76 = vector.broadcast %broadcast_in_dim3A_75 : f32 to vector<16xf32>
      %swap3A_77 = arith.constant 20064 : index
      %swap3A_78 = tpu.vector_load %arg7[%swap3A_77] {strides = array<i32>} : memref<20480xf32, #tpu.memory_space<vmem>>, vector<16xf32>,
      tpu.vector_store %arg7[%swap3A_77], %broadcast_in_dim3A_76 {strides = array<i32>} : memref<20480xf32, #tpu.memory_space<vmem>>, vector<16xf32>,
      %broadcast_in_dim3A_79 = arith.constant 0xFF800000 : f32
      %broadcast_in_dim3A_80 = vector.broadcast %broadcast_in_dim3A_79 : f32 to vector<16xf32>
      %swap3A_81 = arith.constant 20080 : index
      %swap3A_82 = tpu.vector_load %arg7[%swap3A_81] {strides = array<i32>} : memref<20480xf32, #tpu.memory_space<vmem>>, vector<16xf32>,
      tpu.vector_store %arg7[%swap3A_81], %broadcast_in_dim3A_80 {strides = array<i32>} : memref<20480xf32, #tpu.memory_space<vmem>>, vector<16xf32>,
      %broadcast_in_dim3A_83 = arith.constant 0xFF800000 : f32
      %broadcast_in_dim3A_84 = vector.broadcast %broadcast_in_dim3A_83 : f32 to vector<16xf32>
      %swap3A_85 = arith.constant 20096 : index
      %swap3A_86 = tpu.vector_load %arg7[%swap3A_85] {strides = array<i32>} : memref<20480xf32, #tpu.memory_space<vmem>>, vector<16xf32>,
      tpu.vector_store %arg7[%swap3A_85], %broadcast_in_dim3A_84 {strides = array<i32>} : memref<20480xf32, #tpu.memory_space<vmem>>, vector<16xf32>,
      %broadcast_in_dim3A_87 = arith.constant 0xFF800000 : f32
      %broadcast_in_dim3A_88 = vector.broadcast %broadcast_in_dim3A_87 : f32 to vector<16xf32>
      %swap3A_89 = arith.constant 20112 : index
      %swap3A_90 = tpu.vector_load %arg7[%swap3A_89] {strides = array<i32>} : memref<20480xf32, #tpu.memory_space<vmem>>, vector<16xf32>,
      tpu.vector_store %arg7[%swap3A_89], %broadcast_in_dim3A_88 {strides = array<i32>} : memref<20480xf32, #tpu.memory_space<vmem>>, vector<16xf32>,
      %broadcast_in_dim3A_91 = arith.constant 0xFF800000 : f32
      %broadcast_in_dim3A_92 = vector.broadcast %broadcast_in_dim3A_91 : f32 to vector<16xf32>
      %swap3A_93 = arith.constant 20128 : index
      %swap3A_94 = tpu.vector_load %arg7[%swap3A_93] {strides = array<i32>} : memref<20480xf32, #tpu.memory_space<vmem>>, vector<16xf32>,
      tpu.vector_store %arg7[%swap3A_93], %broadcast_in_dim3A_92 {strides = array<i32>} : memref<20480xf32, #tpu.memory_space<vmem>>, vector<16xf32>,
      %broadcast_in_dim3A_95 = arith.constant 0xFF800000 : f32
      %broadcast_in_dim3A_96 = vector.broadcast %broadcast_in_dim3A_95 : f32 to vector<16xf32>
      %swap3A_97 = arith.constant 20144 : index
      %swap3A_98 = tpu.vector_load %arg7[%swap3A_97] {strides = array<i32>} : memref<20480xf32, #tpu.memory_space<vmem>>, vector<16xf32>,
      tpu.vector_store %arg7[%swap3A_97], %broadcast_in_dim3A_96 {strides = array<i32>} : memref<20480xf32, #tpu.memory_space<vmem>>, vector<16xf32>,
      %broadcast_in_dim3A_99 = arith.constant 0xFF800000 : f32
      %broadcast_in_dim3A_100 = vector.broadcast %broadcast_in_dim3A_99 : f32 to vector<16xf32>
      %swap3A_101 = arith.constant 20160 : index
      %swap3A_102 = tpu.vector_load %arg7[%swap3A_101] {strides = array<i32>} : memref<20480xf32, #tpu.memory_space<vmem>>, vector<16xf32>,
      tpu.vector_store %arg7[%swap3A_101], %broadcast_in_dim3A_100 {strides = array<i32>} : memref<20480xf32, #tpu.memory_space<vmem>>, vector<16xf32>,
      %broadcast_in_dim3A_103 = arith.constant 0xFF800000 : f32
      %broadcast_in_dim3A_104 = vector.broadcast %broadcast_in_dim3A_103 : f32 to vector<16xf32>
      %swap3A_105 = arith.constant 20176 : index
      %swap3A_106 = tpu.vector_load %arg7[%swap3A_105] {strides = array<i32>} : memref<20480xf32, #tpu.memory_space<vmem>>, vector<16xf32>,
      tpu.vector_store %arg7[%swap3A_105], %broadcast_in_dim3A_104 {strides = array<i32>} : memref<20480xf32, #tpu.memory_space<vmem>>, vector<16xf32>,
      %broadcast_in_dim3A_107 = arith.constant 0xFF800000 : f32
      %broadcast_in_dim3A_108 = vector.broadcast %broadcast_in_dim3A_107 : f32 to vector<16xf32>
      %swap3A_109 = arith.constant 20192 : index
      %swap3A_110 = tpu.vector_load %arg7[%swap3A_109] {strides = array<i32>} : memref<20480xf32, #tpu.memory_space<vmem>>, vector<16xf32>,
      tpu.vector_store %arg7[%swap3A_109], %broadcast_in_dim3A_108 {strides = array<i32>} : memref<20480xf32, #tpu.memory_space<vmem>>, vector<16xf32>,
      %broadcast_in_dim3A_111 = arith.constant 0xFF800000 : f32
      %broadcast_in_dim3A_112 = vector.broadcast %broadcast_in_dim3A_111 : f32 to vector<16xf32>
      %swap3A_113 = arith.constant 20208 : index
      %swap3A_114 = tpu.vector_load %arg7[%swap3A_113] {strides = array<i32>} : memref<20480xf32, #tpu.memory_space<vmem>>, vector<16xf32>,
      tpu.vector_store %arg7[%swap3A_113], %broadcast_in_dim3A_112 {strides = array<i32>} : memref<20480xf32, #tpu.memory_space<vmem>>, vector<16xf32>,
      %broadcast_in_dim3A_115 = arith.constant 0xFF800000 : f32
      %broadcast_in_dim3A_116 = vector.broadcast %broadcast_in_dim3A_115 : f32 to vector<16xf32>
      %swap3A_117 = arith.constant 20224 : index
      %swap3A_118 = tpu.vector_load %arg7[%swap3A_117] {strides = array<i32>} : memref<20480xf32, #tpu.memory_space<vmem>>, vector<16xf32>,
      tpu.vector_store %arg7[%swap3A_117], %broadcast_in_dim3A_116 {strides = array<i32>} : memref<20480xf32, #tpu.memory_space<vmem>>, vector<16xf32>,
      %broadcast_in_dim3A_119 = arith.constant 0xFF800000 : f32
      %broadcast_in_dim3A_120 = vector.broadcast %broadcast_in_dim3A_119 : f32 to vector<16xf32>
      %swap3A_121 = arith.constant 20240 : index
      %swap3A_122 = tpu.vector_load %arg7[%swap3A_121] {strides = array<i32>} : memref<20480xf32, #tpu.memory_space<vmem>>, vector<16xf32>,
      tpu.vector_store %arg7[%swap3A_121], %broadcast_in_dim3A_120 {strides = array<i32>} : memref<20480xf32, #tpu.memory_space<vmem>>, vector<16xf32>,
      %broadcast_in_dim3A_123 = arith.constant 0xFF800000 : f32
      %broadcast_in_dim3A_124 = vector.broadcast %broadcast_in_dim3A_123 : f32 to vector<16xf32>
      %swap3A_125 = arith.constant 20256 : index
      %swap3A_126 = tpu.vector_load %arg7[%swap3A_125] {strides = array<i32>} : memref<20480xf32, #tpu.memory_space<vmem>>, vector<16xf32>,
      tpu.vector_store %arg7[%swap3A_125], %broadcast_in_dim3A_124 {strides = array<i32>} : memref<20480xf32, #tpu.memory_space<vmem>>, vector<16xf32>,
      %broadcast_in_dim3A_127 = arith.constant 0xFF800000 : f32
      %broadcast_in_dim3A_128 = vector.broadcast %broadcast_in_dim3A_127 : f32 to vector<16xf32>
      %swap3A_129 = arith.constant 20272 : index
      %swap3A_130 = tpu.vector_load %arg7[%swap3A_129] {strides = array<i32>} : memref<20480xf32, #tpu.memory_space<vmem>>, vector<16xf32>,
      tpu.vector_store %arg7[%swap3A_129], %broadcast_in_dim3A_128 {strides = array<i32>} : memref<20480xf32, #tpu.memory_space<vmem>>, vector<16xf32>,
      %broadcast_in_dim3A_131 = arith.constant 0xFF800000 : f32
      %broadcast_in_dim3A_132 = vector.broadcast %broadcast_in_dim3A_131 : f32 to vector<16xf32>
      %swap3A_133 = arith.constant 20288 : index
      %swap3A_134 = tpu.vector_load %arg7[%swap3A_133] {strides = array<i32>} : memref<20480xf32, #tpu.memory_space<vmem>>, vector<16xf32>,
      tpu.vector_store %arg7[%swap3A_133], %broadcast_in_dim3A_132 {strides = array<i32>} : memref<20480xf32, #tpu.memory_space<vmem>>, vector<16xf32>,
      %broadcast_in_dim3A_135 = arith.constant 0xFF800000 : f32
      %broadcast_in_dim3A_136 = vector.broadcast %broadcast_in_dim3A_135 : f32 to vector<16xf32>
      %swap3A_137 = arith.constant 20304 : index
      %swap3A_138 = tpu.vector_load %arg7[%swap3A_137] {strides = array<i32>} : memref<20480xf32, #tpu.memory_space<vmem>>, vector<16xf32>,
      tpu.vector_store %arg7[%swap3A_137], %broadcast_in_dim3A_136 {strides = array<i32>} : memref<20480xf32, #tpu.memory_space<vmem>>, vector<16xf32>,
      %broadcast_in_dim3A_139 = arith.constant 0xFF800000 : f32
      %broadcast_in_dim3A_140 = vector.broadcast %broadcast_in_dim3A_139 : f32 to vector<16xf32>
      %swap3A_141 = arith.constant 20320 : index
      %swap3A_142 = tpu.vector_load %arg7[%swap3A_141] {strides = array<i32>} : memref<20480xf32, #tpu.memory_space<vmem>>, vector<16xf32>,
      tpu.vector_store %arg7[%swap3A_141], %broadcast_in_dim3A_140 {strides = array<i32>} : memref<20480xf32, #tpu.memory_space<vmem>>, vector<16xf32>,
      %broadcast_in_dim3A_143 = arith.constant 0xFF800000 : f32
      %broadcast_in_dim3A_144 = vector.broadcast %broadcast_in_dim3A_143 : f32 to vector<16xf32>
      %swap3A_145 = arith.constant 20336 : index
      %swap3A_146 = tpu.vector_load %arg7[%swap3A_145] {strides = array<i32>} : memref<20480xf32, #tpu.memory_space<vmem>>, vector<16xf32>,
      tpu.vector_store %arg7[%swap3A_145], %broadcast_in_dim3A_144 {strides = array<i32>} : memref<20480xf32, #tpu.memory_space<vmem>>, vector<16xf32>,
      %broadcast_in_dim3A_147 = arith.constant 0xFF800000 : f32
      %broadcast_in_dim3A_148 = vector.broadcast %broadcast_in_dim3A_147 : f32 to vector<16xf32>
      %swap3A_149 = arith.constant 20352 : index
      %swap3A_150 = tpu.vector_load %arg7[%swap3A_149] {strides = array<i32>} : memref<20480xf32, #tpu.memory_space<vmem>>, vector<16xf32>,
      tpu.vector_store %arg7[%swap3A_149], %broadcast_in_dim3A_148 {strides = array<i32>} : memref<20480xf32, #tpu.memory_space<vmem>>, vector<16xf32>,
      %broadcast_in_dim3A_151 = arith.constant 0xFF800000 : f32
      %broadcast_in_dim3A_152 = vector.broadcast %broadcast_in_dim3A_151 : f32 to vector<16xf32>
      %swap3A_153 = arith.constant 20368 : index
      %swap3A_154 = tpu.vector_load %arg7[%swap3A_153] {strides = array<i32>} : memref<20480xf32, #tpu.memory_space<vmem>>, vector<16xf32>,
      tpu.vector_store %arg7[%swap3A_153], %broadcast_in_dim3A_152 {strides = array<i32>} : memref<20480xf32, #tpu.memory_space<vmem>>, vector<16xf32>,
      %broadcast_in_dim3A_155 = arith.constant 0xFF800000 : f32
      %broadcast_in_dim3A_156 = vector.broadcast %broadcast_in_dim3A_155 : f32 to vector<16xf32>
      %swap3A_157 = arith.constant 20384 : index
      %swap3A_158 = tpu.vector_load %arg7[%swap3A_157] {strides = array<i32>} : memref<20480xf32, #tpu.memory_space<vmem>>, vector<16xf32>,
      tpu.vector_store %arg7[%swap3A_157], %broadcast_in_dim3A_156 {strides = array<i32>} : memref<20480xf32, #tpu.memory_space<vmem>>, vector<16xf32>,
      %broadcast_in_dim3A_159 = arith.constant 0xFF800000 : f32
      %broadcast_in_dim3A_160 = vector.broadcast %broadcast_in_dim3A_159 : f32 to vector<16xf32>
      %swap3A_161 = arith.constant 20400 : index
      %swap3A_162 = tpu.vector_load %arg7[%swap3A_161] {strides = array<i32>} : memref<20480xf32, #tpu.memory_space<vmem>>, vector<16xf32>,
      tpu.vector_store %arg7[%swap3A_161], %broadcast_in_dim3A_160 {strides = array<i32>} : memref<20480xf32, #tpu.memory_space<vmem>>, vector<16xf32>,
      %broadcast_in_dim3A_163 = arith.constant 0xFF800000 : f32
      %broadcast_in_dim3A_164 = vector.broadcast %broadcast_in_dim3A_163 : f32 to vector<16xf32>
      %swap3A_165 = arith.constant 20416 : index
      %swap3A_166 = tpu.vector_load %arg7[%swap3A_165] {strides = array<i32>} : memref<20480xf32, #tpu.memory_space<vmem>>, vector<16xf32>,
      tpu.vector_store %arg7[%swap3A_165], %broadcast_in_dim3A_164 {strides = array<i32>} : memref<20480xf32, #tpu.memory_space<vmem>>, vector<16xf32>,
      %broadcast_in_dim3A_167 = arith.constant 0xFF800000 : f32
      %broadcast_in_dim3A_168 = vector.broadcast %broadcast_in_dim3A_167 : f32 to vector<16xf32>
      %swap3A_169 = arith.constant 20432 : index
      %swap3A_170 = tpu.vector_load %arg7[%swap3A_169] {strides = array<i32>} : memref<20480xf32, #tpu.memory_space<vmem>>, vector<16xf32>,
      tpu.vector_store %arg7[%swap3A_169], %broadcast_in_dim3A_168 {strides = array<i32>} : memref<20480xf32, #tpu.memory_space<vmem>>, vector<16xf32>,
      %broadcast_in_dim3A_171 = arith.constant 0xFF800000 : f32
      %broadcast_in_dim3A_172 = vector.broadcast %broadcast_in_dim3A_171 : f32 to vector<16xf32>
      %swap3A_173 = arith.constant 20448 : index
      %swap3A_174 = tpu.vector_load %arg7[%swap3A_173] {strides = array<i32>} : memref<20480xf32, #tpu.memory_space<vmem>>, vector<16xf32>,
      tpu.vector_store %arg7[%swap3A_173], %broadcast_in_dim3A_172 {strides = array<i32>} : memref<20480xf32, #tpu.memory_space<vmem>>, vector<16xf32>,
      %broadcast_in_dim3A_175 = arith.constant 0xFF800000 : f32
      %broadcast_in_dim3A_176 = vector.broadcast %broadcast_in_dim3A_175 : f32 to vector<16xf32>
      %swap3A_177 = arith.constant 20464 : index
      %swap3A_178 = tpu.vector_load %arg7[%swap3A_177] {strides = array<i32>} : memref<20480xf32, #tpu.memory_space<vmem>>, vector<16xf32>,
      tpu.vector_store %arg7[%swap3A_177], %broadcast_in_dim3A_176 {strides = array<i32>} : memref<20480xf32, #tpu.memory_space<vmem>>, vector<16xf32>,
      %swap3A_179 = arith.constant 0 : index
      %swap3A_180 = tpu.vector_load %arg15[%swap3A_179] {strides = array<i32>} : memref<128xf32, #tpu.memory_space<vmem>>, vector<16xf32>,
      tpu.vector_store %arg15[%swap3A_179], %broadcast_in_dim3A_57 {strides = array<i32>} : memref<128xf32, #tpu.memory_space<vmem>>, vector<16xf32>,
      %swap3A_181 = arith.constant 0 : index
      %swap3A_182 = tpu.vector_load %arg16[%swap3A_181] {strides = array<i32>} : memref<128xf32, #tpu.memory_space<vmem>>, vector<16xf32>,
      tpu.vector_store %arg16[%swap3A_181], %broadcast_in_dim3A_57 {strides = array<i32>} : memref<128xf32, #tpu.memory_space<vmem>>, vector<16xf32>,
      %swap3A_183 = arith.constant 0 : index
      %swap3A_184 = tpu.vector_load %arg17[%swap3A_183] {strides = array<i32>} : memref<128xf32, #tpu.memory_space<vmem>>, vector<16xf32>,
      tpu.vector_store %arg17[%swap3A_183], %broadcast_in_dim3A_57 {strides = array<i32>} : memref<128xf32, #tpu.memory_space<vmem>>, vector<16xf32>,
      %swap3A_185 = arith.constant 0 : index
      %swap3A_186 = tpu.vector_load %arg18[%swap3A_185] {strides = array<i32>} : memref<128xf32, #tpu.memory_space<vmem>>, vector<16xf32>,
      tpu.vector_store %arg18[%swap3A_185], %broadcast_in_dim3A_57 {strides = array<i32>} : memref<128xf32, #tpu.memory_space<vmem>>, vector<16xf32>,
      %swap3A_187 = arith.constant 0 : index
      %swap3A_188 = tpu.vector_load %arg19[%swap3A_187] {strides = array<i32>} : memref<128xf32, #tpu.memory_space<vmem>>, vector<16xf32>,
      tpu.vector_store %arg19[%swap3A_187], %broadcast_in_dim3A_57 {strides = array<i32>} : memref<128xf32, #tpu.memory_space<vmem>>, vector<16xf32>,
      %swap3A_189 = arith.constant 0 : index
      %swap3A_190 = tpu.vector_load %arg20[%swap3A_189] {strides = array<i32>} : memref<128xf32, #tpu.memory_space<vmem>>, vector<16xf32>,
      tpu.vector_store %arg20[%swap3A_189], %broadcast_in_dim3A_57 {strides = array<i32>} : memref<128xf32, #tpu.memory_space<vmem>>, vector<16xf32>,
      %swap3A_191 = arith.constant 0 : index
      %swap3A_192 = tpu.vector_load %arg21[%swap3A_191] {strides = array<i32>} : memref<128xi32, #tpu.memory_space<vmem>>, vector<16xi32>,
      tpu.vector_store %arg21[%swap3A_191], %broadcast_in_dim3A_59 {strides = array<i32>} : memref<128xi32, #tpu.memory_space<vmem>>, vector<16xi32>,
      %swap3A_193 = arith.constant 16 : index
      %swap3A_194 = tpu.vector_load %arg15[%swap3A_193] {strides = array<i32>} : memref<128xf32, #tpu.memory_space<vmem>>, vector<16xf32>,
      tpu.vector_store %arg15[%swap3A_193], %broadcast_in_dim3A_57 {strides = array<i32>} : memref<128xf32, #tpu.memory_space<vmem>>, vector<16xf32>,
      %swap3A_195 = arith.constant 16 : index
      %swap3A_196 = tpu.vector_load %arg16[%swap3A_195] {strides = array<i32>} : memref<128xf32, #tpu.memory_space<vmem>>, vector<16xf32>,
      tpu.vector_store %arg16[%swap3A_195], %broadcast_in_dim3A_57 {strides = array<i32>} : memref<128xf32, #tpu.memory_space<vmem>>, vector<16xf32>,
      %swap3A_197 = arith.constant 16 : index
      %swap3A_198 = tpu.vector_load %arg17[%swap3A_197] {strides = array<i32>} : memref<128xf32, #tpu.memory_space<vmem>>, vector<16xf32>,
      tpu.vector_store %arg17[%swap3A_197], %broadcast_in_dim3A_57 {strides = array<i32>} : memref<128xf32, #tpu.memory_space<vmem>>, vector<16xf32>,
      %swap3A_199 = arith.constant 16 : index
      %swap3A_200 = tpu.vector_load %arg18[%swap3A_199] {strides = array<i32>} : memref<128xf32, #tpu.memory_space<vmem>>, vector<16xf32>,
      tpu.vector_store %arg18[%swap3A_199], %broadcast_in_dim3A_57 {strides = array<i32>} : memref<128xf32, #tpu.memory_space<vmem>>, vector<16xf32>,
      %swap3A_201 = arith.constant 16 : index
      %swap3A_202 = tpu.vector_load %arg19[%swap3A_201] {strides = array<i32>} : memref<128xf32, #tpu.memory_space<vmem>>, vector<16xf32>,
      tpu.vector_store %arg19[%swap3A_201], %broadcast_in_dim3A_57 {strides = array<i32>} : memref<128xf32, #tpu.memory_space<vmem>>, vector<16xf32>,
      %swap3A_203 = arith.constant 16 : index
      %swap3A_204 = tpu.vector_load %arg20[%swap3A_203] {strides = array<i32>} : memref<128xf32, #tpu.memory_space<vmem>>, vector<16xf32>,
      tpu.vector_store %arg20[%swap3A_203], %broadcast_in_dim3A_57 {strides = array<i32>} : memref<128xf32, #tpu.memory_space<vmem>>, vector<16xf32>,
      %swap3A_205 = arith.constant 16 : index
      %swap3A_206 = tpu.vector_load %arg21[%swap3A_205] {strides = array<i32>} : memref<128xi32, #tpu.memory_space<vmem>>, vector<16xi32>,
      tpu.vector_store %arg21[%swap3A_205], %broadcast_in_dim3A_59 {strides = array<i32>} : memref<128xi32, #tpu.memory_space<vmem>>, vector<16xi32>,
      %swap3A_207 = arith.constant 32 : index
      %swap3A_208 = tpu.vector_load %arg15[%swap3A_207] {strides = array<i32>} : memref<128xf32, #tpu.memory_space<vmem>>, vector<16xf32>,
      tpu.vector_store %arg15[%swap3A_207], %broadcast_in_dim3A_57 {strides = array<i32>} : memref<128xf32, #tpu.memory_space<vmem>>, vector<16xf32>,
      %swap3A_209 = arith.constant 32 : index
      %swap3A_210 = tpu.vector_load %arg16[%swap3A_209] {strides = array<i32>} : memref<128xf32, #tpu.memory_space<vmem>>, vector<16xf32>,
      tpu.vector_store %arg16[%swap3A_209], %broadcast_in_dim3A_57 {strides = array<i32>} : memref<128xf32, #tpu.memory_space<vmem>>, vector<16xf32>,
      %swap3A_211 = arith.constant 32 : index
      %swap3A_212 = tpu.vector_load %arg17[%swap3A_211] {strides = array<i32>} : memref<128xf32, #tpu.memory_space<vmem>>, vector<16xf32>,
      tpu.vector_store %arg17[%swap3A_211], %broadcast_in_dim3A_57 {strides = array<i32>} : memref<128xf32, #tpu.memory_space<vmem>>, vector<16xf32>,
      %swap3A_213 = arith.constant 32 : index
      %swap3A_214 = tpu.vector_load %arg18[%swap3A_213] {strides = array<i32>} : memref<128xf32, #tpu.memory_space<vmem>>, vector<16xf32>,
      tpu.vector_store %arg18[%swap3A_213], %broadcast_in_dim3A_57 {strides = array<i32>} : memref<128xf32, #tpu.memory_space<vmem>>, vector<16xf32>,
      %swap3A_215 = arith.constant 32 : index
      %swap3A_216 = tpu.vector_load %arg19[%swap3A_215] {strides = array<i32>} : memref<128xf32, #tpu.memory_space<vmem>>, vector<16xf32>,
      tpu.vector_store %arg19[%swap3A_215], %broadcast_in_dim3A_57 {strides = array<i32>} : memref<128xf32, #tpu.memory_space<vmem>>, vector<16xf32>,
      %swap3A_217 = arith.constant 32 : index
      %swap3A_218 = tpu.vector_load %arg20[%swap3A_217] {strides = array<i32>} : memref<128xf32, #tpu.memory_space<vmem>>, vector<16xf32>,
      tpu.vector_store %arg20[%swap3A_217], %broadcast_in_dim3A_57 {strides = array<i32>} : memref<128xf32, #tpu.memory_space<vmem>>, vector<16xf32>,
      %swap3A_219 = arith.constant 32 : index
      %swap3A_220 = tpu.vector_load %arg21[%swap3A_219] {strides = array<i32>} : memref<128xi32, #tpu.memory_space<vmem>>, vector<16xi32>,
      tpu.vector_store %arg21[%swap3A_219], %broadcast_in_dim3A_59 {strides = array<i32>} : memref<128xi32, #tpu.memory_space<vmem>>, vector<16xi32>,
      %swap3A_221 = arith.constant 48 : index
      %swap3A_222 = tpu.vector_load %arg15[%swap3A_221] {strides = array<i32>} : memref<128xf32, #tpu.memory_space<vmem>>, vector<16xf32>,
      tpu.vector_store %arg15[%swap3A_221], %broadcast_in_dim3A_57 {strides = array<i32>} : memref<128xf32, #tpu.memory_space<vmem>>, vector<16xf32>,
      %swap3A_223 = arith.constant 48 : index
      %swap3A_224 = tpu.vector_load %arg16[%swap3A_223] {strides = array<i32>} : memref<128xf32, #tpu.memory_space<vmem>>, vector<16xf32>,
      tpu.vector_store %arg16[%swap3A_223], %broadcast_in_dim3A_57 {strides = array<i32>} : memref<128xf32, #tpu.memory_space<vmem>>, vector<16xf32>,
      %swap3A_225 = arith.constant 48 : index
      %swap3A_226 = tpu.vector_load %arg17[%swap3A_225] {strides = array<i32>} : memref<128xf32, #tpu.memory_space<vmem>>, vector<16xf32>,
      tpu.vector_store %arg17[%swap3A_225], %broadcast_in_dim3A_57 {strides = array<i32>} : memref<128xf32, #tpu.memory_space<vmem>>, vector<16xf32>,
      %swap3A_227 = arith.constant 48 : index
      %swap3A_228 = tpu.vector_load %arg18[%swap3A_227] {strides = array<i32>} : memref<128xf32, #tpu.memory_space<vmem>>, vector<16xf32>,
      tpu.vector_store %arg18[%swap3A_227], %broadcast_in_dim3A_57 {strides = array<i32>} : memref<128xf32, #tpu.memory_space<vmem>>, vector<16xf32>,
      %swap3A_229 = arith.constant 48 : index
      %swap3A_230 = tpu.vector_load %arg19[%swap3A_229] {strides = array<i32>} : memref<128xf32, #tpu.memory_space<vmem>>, vector<16xf32>,
      tpu.vector_store %arg19[%swap3A_229], %broadcast_in_dim3A_57 {strides = array<i32>} : memref<128xf32, #tpu.memory_space<vmem>>, vector<16xf32>,
      %swap3A_231 = arith.constant 48 : index
      %swap3A_232 = tpu.vector_load %arg20[%swap3A_231] {strides = array<i32>} : memref<128xf32, #tpu.memory_space<vmem>>, vector<16xf32>,
      tpu.vector_store %arg20[%swap3A_231], %broadcast_in_dim3A_57 {strides = array<i32>} : memref<128xf32, #tpu.memory_space<vmem>>, vector<16xf32>,
      %swap3A_233 = arith.constant 48 : index
      %swap3A_234 = tpu.vector_load %arg21[%swap3A_233] {strides = array<i32>} : memref<128xi32, #tpu.memory_space<vmem>>, vector<16xi32>,
      tpu.vector_store %arg21[%swap3A_233], %broadcast_in_dim3A_59 {strides = array<i32>} : memref<128xi32, #tpu.memory_space<vmem>>, vector<16xi32>,
      %swap3A_235 = arith.constant 64 : index
      %swap3A_236 = tpu.vector_load %arg15[%swap3A_235] {strides = array<i32>} : memref<128xf32, #tpu.memory_space<vmem>>, vector<16xf32>,
      tpu.vector_store %arg15[%swap3A_235], %broadcast_in_dim3A_57 {strides = array<i32>} : memref<128xf32, #tpu.memory_space<vmem>>, vector<16xf32>,
      %swap3A_237 = arith.constant 64 : index
      %swap3A_238 = tpu.vector_load %arg16[%swap3A_237] {strides = array<i32>} : memref<128xf32, #tpu.memory_space<vmem>>, vector<16xf32>,
      tpu.vector_store %arg16[%swap3A_237], %broadcast_in_dim3A_57 {strides = array<i32>} : memref<128xf32, #tpu.memory_space<vmem>>, vector<16xf32>,
      %swap3A_239 = arith.constant 64 : index
      %swap3A_240 = tpu.vector_load %arg17[%swap3A_239] {strides = array<i32>} : memref<128xf32, #tpu.memory_space<vmem>>, vector<16xf32>,
      tpu.vector_store %arg17[%swap3A_239], %broadcast_in_dim3A_57 {strides = array<i32>} : memref<128xf32, #tpu.memory_space<vmem>>, vector<16xf32>,
      %swap3A_241 = arith.constant 64 : index
      %swap3A_242 = tpu.vector_load %arg18[%swap3A_241] {strides = array<i32>} : memref<128xf32, #tpu.memory_space<vmem>>, vector<16xf32>,
      tpu.vector_store %arg18[%swap3A_241], %broadcast_in_dim3A_57 {strides = array<i32>} : memref<128xf32, #tpu.memory_space<vmem>>, vector<16xf32>,
      %swap3A_243 = arith.constant 64 : index
      %swap3A_244 = tpu.vector_load %arg19[%swap3A_243] {strides = array<i32>} : memref<128xf32, #tpu.memory_space<vmem>>, vector<16xf32>,
      tpu.vector_store %arg19[%swap3A_243], %broadcast_in_dim3A_57 {strides = array<i32>} : memref<128xf32, #tpu.memory_space<vmem>>, vector<16xf32>,
      %swap3A_245 = arith.constant 64 : index
      %swap3A_246 = tpu.vector_load %arg20[%swap3A_245] {strides = array<i32>} : memref<128xf32, #tpu.memory_space<vmem>>, vector<16xf32>,
      tpu.vector_store %arg20[%swap3A_245], %broadcast_in_dim3A_57 {strides = array<i32>} : memref<128xf32, #tpu.memory_space<vmem>>, vector<16xf32>,
      %swap3A_247 = arith.constant 64 : index
      %swap3A_248 = tpu.vector_load %arg21[%swap3A_247] {strides = array<i32>} : memref<128xi32, #tpu.memory_space<vmem>>, vector<16xi32>,
      tpu.vector_store %arg21[%swap3A_247], %broadcast_in_dim3A_59 {strides = array<i32>} : memref<128xi32, #tpu.memory_space<vmem>>, vector<16xi32>,
      %swap3A_249 = arith.constant 80 : index
      %swap3A_250 = tpu.vector_load %arg15[%swap3A_249] {strides = array<i32>} : memref<128xf32, #tpu.memory_space<vmem>>, vector<16xf32>,
      tpu.vector_store %arg15[%swap3A_249], %broadcast_in_dim3A_57 {strides = array<i32>} : memref<128xf32, #tpu.memory_space<vmem>>, vector<16xf32>,
      %swap3A_251 = arith.constant 80 : index
      %swap3A_252 = tpu.vector_load %arg16[%swap3A_251] {strides = array<i32>} : memref<128xf32, #tpu.memory_space<vmem>>, vector<16xf32>,
      tpu.vector_store %arg16[%swap3A_251], %broadcast_in_dim3A_57 {strides = array<i32>} : memref<128xf32, #tpu.memory_space<vmem>>, vector<16xf32>,
      %swap3A_253 = arith.constant 80 : index
      %swap3A_254 = tpu.vector_load %arg17[%swap3A_253] {strides = array<i32>} : memref<128xf32, #tpu.memory_space<vmem>>, vector<16xf32>,
      tpu.vector_store %arg17[%swap3A_253], %broadcast_in_dim3A_57 {strides = array<i32>} : memref<128xf32, #tpu.memory_space<vmem>>, vector<16xf32>,
      %swap3A_255 = arith.constant 80 : index
      %swap3A_256 = tpu.vector_load %arg18[%swap3A_255] {strides = array<i32>} : memref<128xf32, #tpu.memory_space<vmem>>, vector<16xf32>,
      tpu.vector_store %arg18[%swap3A_255], %broadcast_in_dim3A_57 {strides = array<i32>} : memref<128xf32, #tpu.memory_space<vmem>>, vector<16xf32>,
      %swap3A_257 = arith.constant 80 : index
      %swap3A_258 = tpu.vector_load %arg19[%swap3A_257] {strides = array<i32>} : memref<128xf32, #tpu.memory_space<vmem>>, vector<16xf32>,
      tpu.vector_store %arg19[%swap3A_257], %broadcast_in_dim3A_57 {strides = array<i32>} : memref<128xf32, #tpu.memory_space<vmem>>, vector<16xf32>,
      %swap3A_259 = arith.constant 80 : index
      %swap3A_260 = tpu.vector_load %arg20[%swap3A_259] {strides = array<i32>} : memref<128xf32, #tpu.memory_space<vmem>>, vector<16xf32>,
      tpu.vector_store %arg20[%swap3A_259], %broadcast_in_dim3A_57 {strides = array<i32>} : memref<128xf32, #tpu.memory_space<vmem>>, vector<16xf32>,
      %swap3A_261 = arith.constant 80 : index
      %swap3A_262 = tpu.vector_load %arg21[%swap3A_261] {strides = array<i32>} : memref<128xi32, #tpu.memory_space<vmem>>, vector<16xi32>,
      tpu.vector_store %arg21[%swap3A_261], %broadcast_in_dim3A_59 {strides = array<i32>} : memref<128xi32, #tpu.memory_space<vmem>>, vector<16xi32>,
      %swap3A_263 = arith.constant 96 : index
      %swap3A_264 = tpu.vector_load %arg15[%swap3A_263] {strides = array<i32>} : memref<128xf32, #tpu.memory_space<vmem>>, vector<16xf32>,
      tpu.vector_store %arg15[%swap3A_263], %broadcast_in_dim3A_57 {strides = array<i32>} : memref<128xf32, #tpu.memory_space<vmem>>, vector<16xf32>,
      %swap3A_265 = arith.constant 96 : index
      %swap3A_266 = tpu.vector_load %arg16[%swap3A_265] {strides = array<i32>} : memref<128xf32, #tpu.memory_space<vmem>>, vector<16xf32>,
      tpu.vector_store %arg16[%swap3A_265], %broadcast_in_dim3A_57 {strides = array<i32>} : memref<128xf32, #tpu.memory_space<vmem>>, vector<16xf32>,
      %swap3A_267 = arith.constant 96 : index
      %swap3A_268 = tpu.vector_load %arg17[%swap3A_267] {strides = array<i32>} : memref<128xf32, #tpu.memory_space<vmem>>, vector<16xf32>,
      tpu.vector_store %arg17[%swap3A_267], %broadcast_in_dim3A_57 {strides = array<i32>} : memref<128xf32, #tpu.memory_space<vmem>>, vector<16xf32>,
      %swap3A_269 = arith.constant 96 : index
      %swap3A_270 = tpu.vector_load %arg18[%swap3A_269] {strides = array<i32>} : memref<128xf32, #tpu.memory_space<vmem>>, vector<16xf32>,
      tpu.vector_store %arg18[%swap3A_269], %broadcast_in_dim3A_57 {strides = array<i32>} : memref<128xf32, #tpu.memory_space<vmem>>, vector<16xf32>,
      %swap3A_271 = arith.constant 96 : index
      %swap3A_272 = tpu.vector_load %arg19[%swap3A_271] {strides = array<i32>} : memref<128xf32, #tpu.memory_space<vmem>>, vector<16xf32>,
      tpu.vector_store %arg19[%swap3A_271], %broadcast_in_dim3A_57 {strides = array<i32>} : memref<128xf32, #tpu.memory_space<vmem>>, vector<16xf32>,
      %swap3A_273 = arith.constant 96 : index
      %swap3A_274 = tpu.vector_load %arg20[%swap3A_273] {strides = array<i32>} : memref<128xf32, #tpu.memory_space<vmem>>, vector<16xf32>,
      tpu.vector_store %arg20[%swap3A_273], %broadcast_in_dim3A_57 {strides = array<i32>} : memref<128xf32, #tpu.memory_space<vmem>>, vector<16xf32>,
      %swap3A_275 = arith.constant 96 : index
      %swap3A_276 = tpu.vector_load %arg21[%swap3A_275] {strides = array<i32>} : memref<128xi32, #tpu.memory_space<vmem>>, vector<16xi32>,
      tpu.vector_store %arg21[%swap3A_275], %broadcast_in_dim3A_59 {strides = array<i32>} : memref<128xi32, #tpu.memory_space<vmem>>, vector<16xi32>,
      %swap3A_277 = arith.constant 112 : index
      %swap3A_278 = tpu.vector_load %arg15[%swap3A_277] {strides = array<i32>} : memref<128xf32, #tpu.memory_space<vmem>>, vector<16xf32>,
      tpu.vector_store %arg15[%swap3A_277], %broadcast_in_dim3A_57 {strides = array<i32>} : memref<128xf32, #tpu.memory_space<vmem>>, vector<16xf32>,
      %swap3A_279 = arith.constant 112 : index
      %swap3A_280 = tpu.vector_load %arg16[%swap3A_279] {strides = array<i32>} : memref<128xf32, #tpu.memory_space<vmem>>, vector<16xf32>,
      tpu.vector_store %arg16[%swap3A_279], %broadcast_in_dim3A_57 {strides = array<i32>} : memref<128xf32, #tpu.memory_space<vmem>>, vector<16xf32>,
      %swap3A_281 = arith.constant 112 : index
      %swap3A_282 = tpu.vector_load %arg17[%swap3A_281] {strides = array<i32>} : memref<128xf32, #tpu.memory_space<vmem>>, vector<16xf32>,
      tpu.vector_store %arg17[%swap3A_281], %broadcast_in_dim3A_57 {strides = array<i32>} : memref<128xf32, #tpu.memory_space<vmem>>, vector<16xf32>,
      %swap3A_283 = arith.constant 112 : index
      %swap3A_284 = tpu.vector_load %arg18[%swap3A_283] {strides = array<i32>} : memref<128xf32, #tpu.memory_space<vmem>>, vector<16xf32>,
      tpu.vector_store %arg18[%swap3A_283], %broadcast_in_dim3A_57 {strides = array<i32>} : memref<128xf32, #tpu.memory_space<vmem>>, vector<16xf32>,
      %swap3A_285 = arith.constant 112 : index
      %swap3A_286 = tpu.vector_load %arg19[%swap3A_285] {strides = array<i32>} : memref<128xf32, #tpu.memory_space<vmem>>, vector<16xf32>,
      tpu.vector_store %arg19[%swap3A_285], %broadcast_in_dim3A_57 {strides = array<i32>} : memref<128xf32, #tpu.memory_space<vmem>>, vector<16xf32>,
      %swap3A_287 = arith.constant 112 : index
      %swap3A_288 = tpu.vector_load %arg20[%swap3A_287] {strides = array<i32>} : memref<128xf32, #tpu.memory_space<vmem>>, vector<16xf32>,
      tpu.vector_store %arg20[%swap3A_287], %broadcast_in_dim3A_57 {strides = array<i32>} : memref<128xf32, #tpu.memory_space<vmem>>, vector<16xf32>,
      %swap3A_289 = arith.constant 112 : index
      %swap3A_290 = tpu.vector_load %arg21[%swap3A_289] {strides = array<i32>} : memref<128xi32, #tpu.memory_space<vmem>>, vector<16xi32>,
      tpu.vector_store %arg21[%swap3A_289], %broadcast_in_dim3A_59 {strides = array<i32>} : memref<128xi32, #tpu.memory_space<vmem>>, vector<16xi32>,
      %broadcast_in_dim3A_291 = arith.constant 0xFF800000 : f32
      %broadcast_in_dim3A_292 = vector.broadcast %broadcast_in_dim3A_291 : f32 to vector<16xf32>
      %swap3A_293 = arith.constant 0 : index
      %swap3A_294 = tpu.vector_load %arg14[%swap3A_293] {strides = array<i32>} : memref<32xf32, #tpu.memory_space<vmem>>, vector<16xf32>,
      tpu.vector_store %arg14[%swap3A_293], %broadcast_in_dim3A_292 {strides = array<i32>} : memref<32xf32, #tpu.memory_space<vmem>>, vector<16xf32>,
      %broadcast_in_dim3A_295 = arith.constant 0xFF800000 : f32
      %broadcast_in_dim3A_296 = vector.broadcast %broadcast_in_dim3A_295 : f32 to vector<16xf32>
      %swap3A_297 = arith.constant 16 : index
      %swap3A_298 = tpu.vector_load %arg14[%swap3A_297] {strides = array<i32>} : memref<32xf32, #tpu.memory_space<vmem>>, vector<16xf32>,
      tpu.vector_store %arg14[%swap3A_297], %broadcast_in_dim3A_296 {strides = array<i32>} : memref<32xf32, #tpu.memory_space<vmem>>, vector<16xf32>,
      %dma_wait3A = arith.constant 0 : i32
      %dma_wait3A_299 = tpu.memref_slice %arg7[%dma_wait3A] : memref<20480xf32, #tpu.memory_space<vmem>> -> memref<20000xf32, #tpu.memory_space<vmem>>
      %dma_wait3A_300 = arith.constant 0 : i32
      %dma_wait3A_301 = tpu.memref_slice %arg3[%arg1, %dma_wait3A_300] : memref<4x20000xf32, #tpu.memory_space<hbm>> -> memref<1x20000xf32, #tpu.memory_space<hbm>>
      %dma_wait3A_302 = tpu.memref_squeeze %dma_wait3A_301 : memref<1x20000xf32, #tpu.memory_space<hbm>> -> memref<20000xf32, #tpu.memory_space<hbm>>
      %dma_wait3A_303 = arith.constant 0 : i32
      %dma_wait3A_304 = tpu.memref_slice %arg7[%dma_wait3A_303] : memref<20480xf32, #tpu.memory_space<vmem>> -> memref<20000xf32, #tpu.memory_space<vmem>>
      %dma_wait3A_305 = arith.constant 0 : i32
      %dma_wait3A_306 = tpu.memref_slice %arg3[%arg1, %dma_wait3A_305] : memref<4x20000xf32, #tpu.memory_space<hbm>> -> memref<1x20000xf32, #tpu.memory_space<hbm>>
      %dma_wait3A_307 = tpu.memref_squeeze %dma_wait3A_306 : memref<1x20000xf32, #tpu.memory_space<hbm>> -> memref<20000xf32, #tpu.memory_space<hbm>>
      tpu.wait_dma2 semaphore(%arg22 : memref<!tpu.dma_semaphore, #tpu.memory_space<semaphore_mem>>) src(%dma_wait3A_307 : memref<20000xf32, #tpu.memory_space<hbm>>) dst(%dma_wait3A_304 : memref<20000xf32, #tpu.memory_space<vmem>>)
      %parallel_loop3A = arith.constant 0 : i32
      %parallel_loop3A_308 = arith.constant 320 : i32
      %parallel_loop3A_309 = arith.constant 1 : i32
      scf.for %parallel_loop3A_382 = %parallel_loop3A to %parallel_loop3A_308 step %parallel_loop3A_309  : i32 {
        %parallel_loop3A_383 = arith.constant 64 : i32
        %parallel_loop3A_384 = arith.muli %parallel_loop3A_382, %parallel_loop3A_383 : i32
        %parallel_loop3A_385 = vector.broadcast %parallel_loop3A_384 : i32 to vector<16xi32>
        %parallel_loop3A_386 = arith.addi %parallel_loop3A_385, %iota3A : vector<16xi32>
        %parallel_loop3A_387 = tpu.vector_load_idx %arg7[%parallel_loop3A_386] : memref<20480xf32, #tpu.memory_space<vmem>>[vector<16xi32>], vector<16xf32>,
        %parallel_loop3A_388 = arith.constant 16 : i32
        %parallel_loop3A_389 = arith.addi %parallel_loop3A_384, %parallel_loop3A_388 : i32
        %parallel_loop3A_390 = vector.broadcast %parallel_loop3A_389 : i32 to vector<16xi32>
        %parallel_loop3A_391 = arith.addi %parallel_loop3A_390, %iota3A : vector<16xi32>
        %parallel_loop3A_392 = tpu.vector_load_idx %arg7[%parallel_loop3A_391] : memref<20480xf32, #tpu.memory_space<vmem>>[vector<16xi32>], vector<16xf32>,
        %parallel_loop3A_393 = arith.constant 32 : i32
        %parallel_loop3A_394 = arith.addi %parallel_loop3A_384, %parallel_loop3A_393 : i32
        %parallel_loop3A_395 = vector.broadcast %parallel_loop3A_394 : i32 to vector<16xi32>
        %parallel_loop3A_396 = arith.addi %parallel_loop3A_395, %iota3A : vector<16xi32>
        %parallel_loop3A_397 = tpu.vector_load_idx %arg7[%parallel_loop3A_396] : memref<20480xf32, #tpu.memory_space<vmem>>[vector<16xi32>], vector<16xf32>,
        %parallel_loop3A_398 = arith.constant 48 : i32
        %parallel_loop3A_399 = arith.addi %parallel_loop3A_384, %parallel_loop3A_398 : i32
        %parallel_loop3A_400 = vector.broadcast %parallel_loop3A_399 : i32 to vector<16xi32>
        %parallel_loop3A_401 = arith.addi %parallel_loop3A_400, %iota3A : vector<16xi32>
        %parallel_loop3A_402 = tpu.vector_load_idx %arg7[%parallel_loop3A_401] : memref<20480xf32, #tpu.memory_space<vmem>>[vector<16xi32>], vector<16xf32>,
        %parallel_loop3A_403 = arith.maximumf %parallel_loop3A_387, %parallel_loop3A_392 : vector<16xf32>
        %parallel_loop3A_404 = arith.maximumf %parallel_loop3A_397, %parallel_loop3A_402 : vector<16xf32>
        %parallel_loop3A_405 = arith.maximumf %parallel_loop3A_403, %parallel_loop3A_404 : vector<16xf32>
        %parallel_loop3A_406 = arith.constant 0 : i32
        %parallel_loop3A_407 = vector.broadcast %parallel_loop3A_406 : i32 to vector<16xi32>
        %parallel_loop3A_408 = vector.broadcast %parallel_loop3A_382 : i32 to vector<16xi32>
        %parallel_loop3A_409 = arith.addi %parallel_loop3A_407, %parallel_loop3A_408 : vector<16xi32>
        %parallel_loop3A_410 = arith.constant true
        %parallel_loop3A_411 = vector.broadcast %parallel_loop3A_410 : i1 to vector<16xi1>
        %parallel_loop3A_412 = tpu.scan <max>, %parallel_loop3A_405 masked %parallel_loop3A_411 : vector<16xf32>, vector<16xi1> -> vector<16xf32>
        %parallel_loop3A_413 = vector.extract %parallel_loop3A_412[15] : f32 from vector<16xf32>
        %parallel_loop3A_414 = vector.broadcast %parallel_loop3A_413 : f32 to vector<16xf32>
        tpu.vector_store_idx %arg13[%parallel_loop3A_409], %parallel_loop3A_414 masked %eq3A_3 : memref<320xf32, #tpu.memory_space<vmem>>[vector<16xi32>], vector<16xf32>, vector<16xi1>
      } {sc.loop_unroll_factor = 4 : i64, sc.parallel_access}
      %parallel_loop3A_310 = arith.constant 0 : i32
      %parallel_loop3A_311 = arith.constant 20 : i32
      %parallel_loop3A_312 = arith.constant 1 : i32
      scf.for %parallel_loop3A_382 = %parallel_loop3A_310 to %parallel_loop3A_311 step %parallel_loop3A_312  : i32 {
        %parallel_loop3A_383 = arith.constant 16 : i32
        %parallel_loop3A_384 = arith.muli %parallel_loop3A_382, %parallel_loop3A_383 : i32
        %parallel_loop3A_385 = vector.broadcast %parallel_loop3A_384 : i32 to vector<16xi32>
        %parallel_loop3A_386 = arith.addi %parallel_loop3A_385, %iota3A : vector<16xi32>
        %parallel_loop3A_387 = tpu.vector_load_idx %arg13[%parallel_loop3A_386] : memref<320xf32, #tpu.memory_space<vmem>>[vector<16xi32>], vector<16xf32>,
        %parallel_loop3A_388 = arith.constant 0 : i32
        %parallel_loop3A_389 = vector.broadcast %parallel_loop3A_388 : i32 to vector<16xi32>
        %parallel_loop3A_390 = vector.broadcast %parallel_loop3A_382 : i32 to vector<16xi32>
        %parallel_loop3A_391 = arith.addi %parallel_loop3A_389, %parallel_loop3A_390 : vector<16xi32>
        %parallel_loop3A_392 = arith.constant true
        %parallel_loop3A_393 = vector.broadcast %parallel_loop3A_392 : i1 to vector<16xi1>
        %parallel_loop3A_394 = tpu.scan <max>, %parallel_loop3A_387 masked %parallel_loop3A_393 : vector<16xf32>, vector<16xi1> -> vector<16xf32>
        %parallel_loop3A_395 = vector.extract %parallel_loop3A_394[15] : f32 from vector<16xf32>
        %parallel_loop3A_396 = vector.broadcast %parallel_loop3A_395 : f32 to vector<16xf32>
        tpu.vector_store_idx %arg14[%parallel_loop3A_391], %parallel_loop3A_396 masked %eq3A_3 : memref<32xf32, #tpu.memory_space<vmem>>[vector<16xi32>], vector<16xf32>, vector<16xi1>
      } {sc.loop_unroll_factor = 2 : i64, sc.parallel_access}
      %dma_wait3A_313 = arith.constant 0 : i32
      %dma_wait3A_314 = tpu.memref_slice %arg2[%add3A_14, %dma_wait3A_313] : memref<16x20000xf32, #tpu.memory_space<hbm>> -> memref<1x20000xf32, #tpu.memory_space<hbm>>
      %dma_wait3A_315 = tpu.memref_squeeze %dma_wait3A_314 : memref<1x20000xf32, #tpu.memory_space<hbm>> -> memref<20000xf32, #tpu.memory_space<hbm>>
      %dma_wait3A_316 = arith.constant 0 : i32
      %dma_wait3A_317 = tpu.memref_slice %arg2[%add3A_14, %dma_wait3A_316] : memref<16x20000xf32, #tpu.memory_space<hbm>> -> memref<1x20000xf32, #tpu.memory_space<hbm>>
      %dma_wait3A_318 = tpu.memref_squeeze %dma_wait3A_317 : memref<1x20000xf32, #tpu.memory_space<hbm>> -> memref<20000xf32, #tpu.memory_space<hbm>>
      tpu.wait_dma2 semaphore(%arg23 : memref<!tpu.dma_semaphore, #tpu.memory_space<semaphore_mem>>) src(%dma_wait3A_318 : memref<20000xf32, #tpu.memory_space<hbm>>) dst(%arg8 : memref<20000xf32, #tpu.memory_space<vmem>>)
      %dma_wait3A_319 = arith.constant 0 : i32
      %dma_wait3A_320 = tpu.memref_slice %arg2[%add3A_24, %dma_wait3A_319] : memref<16x20000xf32, #tpu.memory_space<hbm>> -> memref<1x20000xf32, #tpu.memory_space<hbm>>
      %dma_wait3A_321 = tpu.memref_squeeze %dma_wait3A_320 : memref<1x20000xf32, #tpu.memory_space<hbm>> -> memref<20000xf32, #tpu.memory_space<hbm>>
      %dma_wait3A_322 = arith.constant 0 : i32
      %dma_wait3A_323 = tpu.memref_slice %arg2[%add3A_24, %dma_wait3A_322] : memref<16x20000xf32, #tpu.memory_space<hbm>> -> memref<1x20000xf32, #tpu.memory_space<hbm>>
      %dma_wait3A_324 = tpu.memref_squeeze %dma_wait3A_323 : memref<1x20000xf32, #tpu.memory_space<hbm>> -> memref<20000xf32, #tpu.memory_space<hbm>>
      tpu.wait_dma2 semaphore(%arg24 : memref<!tpu.dma_semaphore, #tpu.memory_space<semaphore_mem>>) src(%dma_wait3A_324 : memref<20000xf32, #tpu.memory_space<hbm>>) dst(%arg9 : memref<20000xf32, #tpu.memory_space<vmem>>)
      %dma_wait3A_325 = arith.constant 0 : i32
      %dma_wait3A_326 = tpu.memref_slice %arg2[%add3A_34, %dma_wait3A_325] : memref<16x20000xf32, #tpu.memory_space<hbm>> -> memref<1x20000xf32, #tpu.memory_space<hbm>>
      %dma_wait3A_327 = tpu.memref_squeeze %dma_wait3A_326 : memref<1x20000xf32, #tpu.memory_space<hbm>> -> memref<20000xf32, #tpu.memory_space<hbm>>
      %dma_wait3A_328 = arith.constant 0 : i32
      %dma_wait3A_329 = tpu.memref_slice %arg2[%add3A_34, %dma_wait3A_328] : memref<16x20000xf32, #tpu.memory_space<hbm>> -> memref<1x20000xf32, #tpu.memory_space<hbm>>
      %dma_wait3A_330 = tpu.memref_squeeze %dma_wait3A_329 : memref<1x20000xf32, #tpu.memory_space<hbm>> -> memref<20000xf32, #tpu.memory_space<hbm>>
      tpu.wait_dma2 semaphore(%arg25 : memref<!tpu.dma_semaphore, #tpu.memory_space<semaphore_mem>>) src(%dma_wait3A_330 : memref<20000xf32, #tpu.memory_space<hbm>>) dst(%arg10 : memref<20000xf32, #tpu.memory_space<vmem>>)
      %dma_wait3A_331 = arith.constant 0 : i32
      %dma_wait3A_332 = tpu.memref_slice %arg2[%add3A_44, %dma_wait3A_331] : memref<16x20000xf32, #tpu.memory_space<hbm>> -> memref<1x20000xf32, #tpu.memory_space<hbm>>
      %dma_wait3A_333 = tpu.memref_squeeze %dma_wait3A_332 : memref<1x20000xf32, #tpu.memory_space<hbm>> -> memref<20000xf32, #tpu.memory_space<hbm>>
      %dma_wait3A_334 = arith.constant 0 : i32
      %dma_wait3A_335 = tpu.memref_slice %arg2[%add3A_44, %dma_wait3A_334] : memref<16x20000xf32, #tpu.memory_space<hbm>> -> memref<1x20000xf32, #tpu.memory_space<hbm>>
      %dma_wait3A_336 = tpu.memref_squeeze %dma_wait3A_335 : memref<1x20000xf32, #tpu.memory_space<hbm>> -> memref<20000xf32, #tpu.memory_space<hbm>>
      tpu.wait_dma2 semaphore(%arg26 : memref<!tpu.dma_semaphore, #tpu.memory_space<semaphore_mem>>) src(%dma_wait3A_336 : memref<20000xf32, #tpu.memory_space<hbm>>) dst(%arg11 : memref<20000xf32, #tpu.memory_space<vmem>>)
      %dma_wait3A_337 = arith.constant 0 : i32
      %dma_wait3A_338 = tpu.memref_slice %arg4[%arg1, %dma_wait3A_337] : memref<4x20000xi32, #tpu.memory_space<hbm>> -> memref<1x20000xi32, #tpu.memory_space<hbm>>
      %dma_wait3A_339 = tpu.memref_squeeze %dma_wait3A_338 : memref<1x20000xi32, #tpu.memory_space<hbm>> -> memref<20000xi32, #tpu.memory_space<hbm>>
      %dma_wait3A_340 = arith.constant 0 : i32
      %dma_wait3A_341 = tpu.memref_slice %arg4[%arg1, %dma_wait3A_340] : memref<4x20000xi32, #tpu.memory_space<hbm>> -> memref<1x20000xi32, #tpu.memory_space<hbm>>
      %dma_wait3A_342 = tpu.memref_squeeze %dma_wait3A_341 : memref<1x20000xi32, #tpu.memory_space<hbm>> -> memref<20000xi32, #tpu.memory_space<hbm>>
      tpu.wait_dma2 semaphore(%arg27 : memref<!tpu.dma_semaphore, #tpu.memory_space<semaphore_mem>>) src(%dma_wait3A_342 : memref<20000xi32, #tpu.memory_space<hbm>>) dst(%arg12 : memref<20000xi32, #tpu.memory_space<vmem>>)
      %get3A = arith.constant 0 : index
      %get3A_343 = tpu.vector_load %arg14[%get3A] {strides = array<i32>} : memref<32xf32, #tpu.memory_space<vmem>>, vector<16xf32>,
      %get3A_344 = arith.constant 16 : index
      %get3A_345 = tpu.vector_load %arg14[%get3A_344] {strides = array<i32>} : memref<32xf32, #tpu.memory_space<vmem>>, vector<16xf32>,
      %max3A = arith.maximumf %get3A_343, %get3A_345 : vector<16xf32>
      %reduce_max3A = arith.constant true
      %reduce_max3A_346 = vector.broadcast %reduce_max3A : i1 to vector<16xi1>
      %reduce_max3A_347 = tpu.scan <max>, %max3A masked %reduce_max3A_346 : vector<16xf32>, vector<16xi1> -> vector<16xf32>
      %reduce_max3A_348 = vector.extract %reduce_max3A_347[15] : f32 from vector<16xf32>
      %while3A = arith.constant 0 : i32
      %while3A_349:4 = scf.while (%while3A_382 = %while3A, %while3A_383 = %reduce_max3A_348, %while3A_384 = %get3A_343, %while3A_385 = %get3A_345) : (i32, f32, vector<16xf32>, vector<16xf32>) -> (i32, f32, vector<16xf32>, vector<16xf32>) {
        %lt3A_386 = arith.constant 100 : i32
        %lt3A_387 = arith.cmpi slt, %while3A_382, %lt3A_386 : i32
        %gt3A = arith.constant 5.000000e-02 : f32
        %gt3A_388 = arith.cmpf ogt, %while3A_383, %gt3A : f32
        %and3A = arith.andi %lt3A_387, %gt3A_388 : i1
        scf.condition(%and3A) %while3A_382, %while3A_383, %while3A_384, %while3A_385 : i32, f32, vector<16xf32>, vector<16xf32>
      } do {
      ^bb0(%while3A_382: i32, %while3A_383: f32, %while3A_384: vector<16xf32>, %while3A_385: vector<16xf32>):
        %broadcast_in_dim3A_386 = arith.constant 0.000000e+00 : f32
        %broadcast_in_dim3A_387 = vector.broadcast %broadcast_in_dim3A_386 : f32 to vector<16xf32>
        %add3A_388 = vector.broadcast %while3A_383 : f32 to vector<16xf32>
        %add3A_389 = arith.addf %broadcast_in_dim3A_387, %add3A_388 : vector<16xf32>
        %eq3A_390 = arith.cmpf oeq, %while3A_384, %add3A_389 : vector<16xf32>
        %all_reduce_ffs3A = tpu.all_reduce %eq3A_390 {dim = 0 : i64, kind = #tpu.reduction_kind<find_first_set>} : vector<16xi1> -> vector<16xi32>
        %eq3A_391 = arith.cmpf oeq, %while3A_385, %add3A_389 : vector<16xf32>
        %all_reduce_ffs3A_392 = tpu.all_reduce %eq3A_391 {dim = 0 : i64, kind = #tpu.reduction_kind<find_first_set>} : vector<16xi1> -> vector<16xi32>
        %lt3A_393 = arith.constant 16 : i32
        %lt3A_394 = vector.broadcast %lt3A_393 : i32 to vector<16xi32>
        %lt3A_395 = arith.cmpi slt, %all_reduce_ffs3A, %lt3A_394 : vector<16xi32>
        %add3A_396 = arith.constant 16 : i32
        %add3A_397 = vector.broadcast %add3A_396 : i32 to vector<16xi32>
        %add3A_398 = arith.addi %add3A_397, %all_reduce_ffs3A_392 : vector<16xi32>
        %select_n3A = arith.select %lt3A_395, %all_reduce_ffs3A, %add3A_398 : vector<16xi1>, vector<16xi32>
        %mul3A_399 = arith.constant 16 : i32
        %mul3A_400 = vector.broadcast %mul3A_399 : i32 to vector<16xi32>
        %mul3A_401 = arith.muli %select_n3A, %mul3A_400 : vector<16xi32>
        %add3A_402 = arith.addi %mul3A_401, %iota3A : vector<16xi32>
        %gather3A = tpu.vector_load_idx %arg13[%add3A_402] : memref<320xf32, #tpu.memory_space<vmem>>[vector<16xi32>], vector<16xf32>,
        %eq3A_403 = arith.cmpf oeq, %gather3A, %add3A_389 : vector<16xf32>
        %all_reduce_ffs3A_404 = tpu.all_reduce %eq3A_403 {dim = 0 : i64, kind = #tpu.reduction_kind<find_first_set>} : vector<16xi1> -> vector<16xi32>
        %mul3A_405 = arith.constant 16 : i32
        %mul3A_406 = vector.broadcast %mul3A_405 : i32 to vector<16xi32>
        %mul3A_407 = arith.muli %select_n3A, %mul3A_406 : vector<16xi32>
        %add3A_408 = arith.addi %mul3A_407, %all_reduce_ffs3A_404 : vector<16xi32>
        %mul3A_409 = arith.constant 64 : i32
        %mul3A_410 = vector.broadcast %mul3A_409 : i32 to vector<16xi32>
        %mul3A_411 = arith.muli %add3A_408, %mul3A_410 : vector<16xi32>
        %add3A_412 = arith.addi %mul3A_411, %iota3A : vector<16xi32>
        %add3A_413 = arith.constant 16 : i32
        %add3A_414 = vector.broadcast %add3A_413 : i32 to vector<16xi32>
        %add3A_415 = arith.addi %mul3A_411, %add3A_414 : vector<16xi32>
        %add3A_416 = arith.addi %add3A_415, %iota3A : vector<16xi32>
        %add3A_417 = arith.constant 32 : i32
        %add3A_418 = vector.broadcast %add3A_417 : i32 to vector<16xi32>
        %add3A_419 = arith.addi %mul3A_411, %add3A_418 : vector<16xi32>
        %add3A_420 = arith.addi %add3A_419, %iota3A : vector<16xi32>
        %add3A_421 = arith.constant 48 : i32
        %add3A_422 = vector.broadcast %add3A_421 : i32 to vector<16xi32>
        %add3A_423 = arith.addi %mul3A_411, %add3A_422 : vector<16xi32>
        %add3A_424 = arith.addi %add3A_423, %iota3A : vector<16xi32>
        %gather3A_425 = tpu.vector_load_idx %arg7[%add3A_412] : memref<20480xf32, #tpu.memory_space<vmem>>[vector<16xi32>], vector<16xf32>,
        %gather3A_426 = tpu.vector_load_idx %arg7[%add3A_416] : memref<20480xf32, #tpu.memory_space<vmem>>[vector<16xi32>], vector<16xf32>,
        %gather3A_427 = tpu.vector_load_idx %arg7[%add3A_420] : memref<20480xf32, #tpu.memory_space<vmem>>[vector<16xi32>], vector<16xf32>,
        %gather3A_428 = tpu.vector_load_idx %arg7[%add3A_424] : memref<20480xf32, #tpu.memory_space<vmem>>[vector<16xi32>], vector<16xf32>,
        %eq3A_429 = arith.cmpf oeq, %gather3A_425, %add3A_389 : vector<16xf32>
        %all_reduce_ffs3A_430 = tpu.all_reduce %eq3A_429 {dim = 0 : i64, kind = #tpu.reduction_kind<find_first_set>} : vector<16xi1> -> vector<16xi32>
        %eq3A_431 = arith.cmpf oeq, %gather3A_426, %add3A_389 : vector<16xf32>
        %all_reduce_ffs3A_432 = tpu.all_reduce %eq3A_431 {dim = 0 : i64, kind = #tpu.reduction_kind<find_first_set>} : vector<16xi1> -> vector<16xi32>
        %eq3A_433 = arith.cmpf oeq, %gather3A_427, %add3A_389 : vector<16xf32>
        %all_reduce_ffs3A_434 = tpu.all_reduce %eq3A_433 {dim = 0 : i64, kind = #tpu.reduction_kind<find_first_set>} : vector<16xi1> -> vector<16xi32>
        %eq3A_435 = arith.cmpf oeq, %gather3A_428, %add3A_389 : vector<16xf32>
        %all_reduce_ffs3A_436 = tpu.all_reduce %eq3A_435 {dim = 0 : i64, kind = #tpu.reduction_kind<find_first_set>} : vector<16xi1> -> vector<16xi32>
        %lt3A_437 = arith.constant 16 : i32
        %lt3A_438 = vector.broadcast %lt3A_437 : i32 to vector<16xi32>
        %lt3A_439 = arith.cmpi slt, %all_reduce_ffs3A_430, %lt3A_438 : vector<16xi32>
        %lt3A_440 = arith.constant 16 : i32
        %lt3A_441 = vector.broadcast %lt3A_440 : i32 to vector<16xi32>
        %lt3A_442 = arith.cmpi slt, %all_reduce_ffs3A_432, %lt3A_441 : vector<16xi32>
        %add3A_443 = arith.constant 16 : i32
        %add3A_444 = vector.broadcast %add3A_443 : i32 to vector<16xi32>
        %add3A_445 = arith.addi %add3A_444, %all_reduce_ffs3A_432 : vector<16xi32>
        %lt3A_446 = arith.constant 16 : i32
        %lt3A_447 = vector.broadcast %lt3A_446 : i32 to vector<16xi32>
        %lt3A_448 = arith.cmpi slt, %all_reduce_ffs3A_434, %lt3A_447 : vector<16xi32>
        %add3A_449 = arith.constant 32 : i32
        %add3A_450 = vector.broadcast %add3A_449 : i32 to vector<16xi32>
        %add3A_451 = arith.addi %add3A_450, %all_reduce_ffs3A_434 : vector<16xi32>
        %add3A_452 = arith.constant 48 : i32
        %add3A_453 = vector.broadcast %add3A_452 : i32 to vector<16xi32>
        %add3A_454 = arith.addi %add3A_453, %all_reduce_ffs3A_436 : vector<16xi32>
        %select_n3A_455 = arith.select %lt3A_448, %add3A_451, %add3A_454 : vector<16xi1>, vector<16xi32>
        %select_n3A_456 = arith.select %lt3A_442, %add3A_445, %select_n3A_455 : vector<16xi1>, vector<16xi32>
        %select_n3A_457 = arith.select %lt3A_439, %all_reduce_ffs3A_430, %select_n3A_456 : vector<16xi1>, vector<16xi32>
        %add3A_458 = arith.addi %mul3A_411, %select_n3A_457 : vector<16xi32>
        %eq3A_459 = arith.cmpi eq, %iota3A, %all_reduce_ffs3A_404 : vector<16xi32>
        %jit3A = arith.constant 0xFF800000 : f32
        %broadcast_in_dim3A_460 = vector.broadcast %jit3A : f32 to vector<16xf32>
        %select_n3A_461 = arith.select %eq3A_459, %broadcast_in_dim3A_460, %gather3A : vector<16xi1>, vector<16xf32>
        %reduce_max3A_462 = arith.constant true
        %reduce_max3A_463 = vector.broadcast %reduce_max3A_462 : i1 to vector<16xi1>
        %reduce_max3A_464 = tpu.scan <max>, %select_n3A_461 masked %reduce_max3A_463 : vector<16xf32>, vector<16xi1> -> vector<16xf32>
        %reduce_max3A_465 = vector.extract %reduce_max3A_464[15] : f32 from vector<16xf32>
        %eq3A_466 = arith.cmpi eq, %iota3A, %select_n3A : vector<16xi32>
        %jit3A_467 = arith.constant 0xFF800000 : f32
        %broadcast_in_dim3A_468 = vector.broadcast %jit3A_467 : f32 to vector<16xf32>
        %select_n3A_469 = arith.select %eq3A_466, %broadcast_in_dim3A_468, %while3A_384 : vector<16xi1>, vector<16xf32>
        %add3A_470 = arith.constant 16 : i32
        %add3A_471 = vector.broadcast %add3A_470 : i32 to vector<16xi32>
        %add3A_472 = arith.addi %iota3A, %add3A_471 : vector<16xi32>
        %eq3A_473 = arith.cmpi eq, %add3A_472, %select_n3A : vector<16xi32>
        %jit3A_474 = arith.constant 0xFF800000 : f32
        %broadcast_in_dim3A_475 = vector.broadcast %jit3A_474 : f32 to vector<16xf32>
        %select_n3A_476 = arith.select %eq3A_473, %broadcast_in_dim3A_475, %while3A_385 : vector<16xi1>, vector<16xf32>
        %max3A_477 = arith.maximumf %select_n3A_469, %select_n3A_476 : vector<16xf32>
        %reduce_max3A_478 = arith.constant true
        %reduce_max3A_479 = vector.broadcast %reduce_max3A_478 : i1 to vector<16xi1>
        %reduce_max3A_480 = tpu.scan <max>, %max3A_477 masked %reduce_max3A_479 : vector<16xf32>, vector<16xi1> -> vector<16xf32>
        %reduce_max3A_481 = vector.extract %reduce_max3A_480[15] : f32 from vector<16xf32>
        %eq3A_482 = arith.cmpi eq, %add3A_412, %add3A_458 : vector<16xi32>
        %jit3A_483 = arith.constant 0xFF800000 : f32
        %broadcast_in_dim3A_484 = vector.broadcast %jit3A_483 : f32 to vector<16xf32>
        %select_n3A_485 = arith.select %eq3A_482, %broadcast_in_dim3A_484, %gather3A_425 : vector<16xi1>, vector<16xf32>
        %eq3A_486 = arith.cmpi eq, %add3A_416, %add3A_458 : vector<16xi32>
        %jit3A_487 = arith.constant 0xFF800000 : f32
        %broadcast_in_dim3A_488 = vector.broadcast %jit3A_487 : f32 to vector<16xf32>
        %select_n3A_489 = arith.select %eq3A_486, %broadcast_in_dim3A_488, %gather3A_426 : vector<16xi1>, vector<16xf32>
        %eq3A_490 = arith.cmpi eq, %add3A_420, %add3A_458 : vector<16xi32>
        %jit3A_491 = arith.constant 0xFF800000 : f32
        %broadcast_in_dim3A_492 = vector.broadcast %jit3A_491 : f32 to vector<16xf32>
        %select_n3A_493 = arith.select %eq3A_490, %broadcast_in_dim3A_492, %gather3A_427 : vector<16xi1>, vector<16xf32>
        %eq3A_494 = arith.cmpi eq, %add3A_424, %add3A_458 : vector<16xi32>
        %jit3A_495 = arith.constant 0xFF800000 : f32
        %broadcast_in_dim3A_496 = vector.broadcast %jit3A_495 : f32 to vector<16xf32>
        %select_n3A_497 = arith.select %eq3A_494, %broadcast_in_dim3A_496, %gather3A_428 : vector<16xi1>, vector<16xf32>
        %max3A_498 = arith.maximumf %select_n3A_485, %select_n3A_489 : vector<16xf32>
        %max3A_499 = arith.maximumf %select_n3A_493, %select_n3A_497 : vector<16xf32>
        %max3A_500 = arith.maximumf %max3A_498, %max3A_499 : vector<16xf32>
        %reduce_max3A_501 = arith.constant true
        %reduce_max3A_502 = vector.broadcast %reduce_max3A_501 : i1 to vector<16xi1>
        %reduce_max3A_503 = tpu.scan <max>, %max3A_500 masked %reduce_max3A_502 : vector<16xf32>, vector<16xi1> -> vector<16xf32>
        %reduce_max3A_504 = vector.extract %reduce_max3A_503[15] : f32 from vector<16xf32>
        %gather3A_505 = tpu.vector_load_idx %arg8[%add3A_458] : memref<20000xf32, #tpu.memory_space<vmem>>[vector<16xi32>], vector<16xf32>,
        %gather3A_506 = tpu.vector_load_idx %arg9[%add3A_458] : memref<20000xf32, #tpu.memory_space<vmem>>[vector<16xi32>], vector<16xf32>,
        %gather3A_507 = tpu.vector_load_idx %arg10[%add3A_458] : memref<20000xf32, #tpu.memory_space<vmem>>[vector<16xi32>], vector<16xf32>,
        %gather3A_508 = tpu.vector_load_idx %arg11[%add3A_458] : memref<20000xf32, #tpu.memory_space<vmem>>[vector<16xi32>], vector<16xf32>,
        %gather3A_509 = tpu.vector_load_idx %arg12[%add3A_458] : memref<20000xi32, #tpu.memory_space<vmem>>[vector<16xi32>], vector<16xi32>,
        %sub3A = arith.subf %gather3A_507, %gather3A_505 : vector<16xf32>
        %sub3A_510 = arith.subf %gather3A_508, %gather3A_506 : vector<16xf32>
        %mul3A_511 = arith.mulf %sub3A, %sub3A_510 : vector<16xf32>
        %broadcast_in_dim3A_512 = arith.constant false
        %broadcast_in_dim3A_513 = vector.broadcast %broadcast_in_dim3A_512 : i1 to vector<16xi1>
        %get3A_514 = arith.constant 0 : index
        %get3A_515 = tpu.vector_load %arg15[%get3A_514] {strides = array<i32>} : memref<128xf32, #tpu.memory_space<vmem>>, vector<16xf32>,
        %get3A_516 = arith.constant 0 : index
        %get3A_517 = tpu.vector_load %arg16[%get3A_516] {strides = array<i32>} : memref<128xf32, #tpu.memory_space<vmem>>, vector<16xf32>,
        %get3A_518 = arith.constant 0 : index
        %get3A_519 = tpu.vector_load %arg17[%get3A_518] {strides = array<i32>} : memref<128xf32, #tpu.memory_space<vmem>>, vector<16xf32>,
        %get3A_520 = arith.constant 0 : index
        %get3A_521 = tpu.vector_load %arg18[%get3A_520] {strides = array<i32>} : memref<128xf32, #tpu.memory_space<vmem>>, vector<16xf32>,
        %get3A_522 = arith.constant 0 : index
        %get3A_523 = tpu.vector_load %arg19[%get3A_522] {strides = array<i32>} : memref<128xf32, #tpu.memory_space<vmem>>, vector<16xf32>,
        %max3A_524 = arith.maximumf %get3A_515, %gather3A_505 : vector<16xf32>
        %max3A_525 = arith.maximumf %get3A_517, %gather3A_506 : vector<16xf32>
        %min3A = arith.minimumf %get3A_519, %gather3A_507 : vector<16xf32>
        %min3A_526 = arith.minimumf %get3A_521, %gather3A_508 : vector<16xf32>
        %sub3A_527 = arith.subf %min3A, %max3A_524 : vector<16xf32>
        %max3A_528 = arith.constant 0.000000e+00 : f32
        %max3A_529 = vector.broadcast %max3A_528 : f32 to vector<16xf32>
        %max3A_530 = arith.maximumf %sub3A_527, %max3A_529 : vector<16xf32>
        %sub3A_531 = arith.subf %min3A_526, %max3A_525 : vector<16xf32>
        %max3A_532 = arith.constant 0.000000e+00 : f32
        %max3A_533 = vector.broadcast %max3A_532 : f32 to vector<16xf32>
        %max3A_534 = arith.maximumf %sub3A_531, %max3A_533 : vector<16xf32>
        %mul3A_535 = arith.mulf %max3A_530, %max3A_534 : vector<16xf32>
        %add3A_536 = arith.addf %get3A_523, %mul3A_511 : vector<16xf32>
        %sub3A_537 = arith.subf %add3A_536, %mul3A_535 : vector<16xf32>
        %div3A = arith.divf %mul3A_535, %sub3A_537 : vector<16xf32>
        %gt3A = arith.constant 5.000000e-01 : f32
        %gt3A_538 = vector.broadcast %gt3A : f32 to vector<16xf32>
        %gt3A_539 = arith.cmpf ogt, %div3A, %gt3A_538 : vector<16xf32>
        %or3A = arith.ori %broadcast_in_dim3A_513, %gt3A_539 : vector<16xi1>
        %get3A_540 = arith.constant 16 : index
        %get3A_541 = tpu.vector_load %arg15[%get3A_540] {strides = array<i32>} : memref<128xf32, #tpu.memory_space<vmem>>, vector<16xf32>,
        %get3A_542 = arith.constant 16 : index
        %get3A_543 = tpu.vector_load %arg16[%get3A_542] {strides = array<i32>} : memref<128xf32, #tpu.memory_space<vmem>>, vector<16xf32>,
        %get3A_544 = arith.constant 16 : index
        %get3A_545 = tpu.vector_load %arg17[%get3A_544] {strides = array<i32>} : memref<128xf32, #tpu.memory_space<vmem>>, vector<16xf32>,
        %get3A_546 = arith.constant 16 : index
        %get3A_547 = tpu.vector_load %arg18[%get3A_546] {strides = array<i32>} : memref<128xf32, #tpu.memory_space<vmem>>, vector<16xf32>,
        %get3A_548 = arith.constant 16 : index
        %get3A_549 = tpu.vector_load %arg19[%get3A_548] {strides = array<i32>} : memref<128xf32, #tpu.memory_space<vmem>>, vector<16xf32>,
        %max3A_550 = arith.maximumf %get3A_541, %gather3A_505 : vector<16xf32>
        %max3A_551 = arith.maximumf %get3A_543, %gather3A_506 : vector<16xf32>
        %min3A_552 = arith.minimumf %get3A_545, %gather3A_507 : vector<16xf32>
        %min3A_553 = arith.minimumf %get3A_547, %gather3A_508 : vector<16xf32>
        %sub3A_554 = arith.subf %min3A_552, %max3A_550 : vector<16xf32>
        %max3A_555 = arith.constant 0.000000e+00 : f32
        %max3A_556 = vector.broadcast %max3A_555 : f32 to vector<16xf32>
        %max3A_557 = arith.maximumf %sub3A_554, %max3A_556 : vector<16xf32>
        %sub3A_558 = arith.subf %min3A_553, %max3A_551 : vector<16xf32>
        %max3A_559 = arith.constant 0.000000e+00 : f32
        %max3A_560 = vector.broadcast %max3A_559 : f32 to vector<16xf32>
        %max3A_561 = arith.maximumf %sub3A_558, %max3A_560 : vector<16xf32>
        %mul3A_562 = arith.mulf %max3A_557, %max3A_561 : vector<16xf32>
        %add3A_563 = arith.addf %get3A_549, %mul3A_511 : vector<16xf32>
        %sub3A_564 = arith.subf %add3A_563, %mul3A_562 : vector<16xf32>
        %div3A_565 = arith.divf %mul3A_562, %sub3A_564 : vector<16xf32>
        %gt3A_566 = arith.constant 5.000000e-01 : f32
        %gt3A_567 = vector.broadcast %gt3A_566 : f32 to vector<16xf32>
        %gt3A_568 = arith.cmpf ogt, %div3A_565, %gt3A_567 : vector<16xf32>
        %or3A_569 = arith.ori %or3A, %gt3A_568 : vector<16xi1>
        %get3A_570 = arith.constant 32 : index
        %get3A_571 = tpu.vector_load %arg15[%get3A_570] {strides = array<i32>} : memref<128xf32, #tpu.memory_space<vmem>>, vector<16xf32>,
        %get3A_572 = arith.constant 32 : index
        %get3A_573 = tpu.vector_load %arg16[%get3A_572] {strides = array<i32>} : memref<128xf32, #tpu.memory_space<vmem>>, vector<16xf32>,
        %get3A_574 = arith.constant 32 : index
        %get3A_575 = tpu.vector_load %arg17[%get3A_574] {strides = array<i32>} : memref<128xf32, #tpu.memory_space<vmem>>, vector<16xf32>,
        %get3A_576 = arith.constant 32 : index
        %get3A_577 = tpu.vector_load %arg18[%get3A_576] {strides = array<i32>} : memref<128xf32, #tpu.memory_space<vmem>>, vector<16xf32>,
        %get3A_578 = arith.constant 32 : index
        %get3A_579 = tpu.vector_load %arg19[%get3A_578] {strides = array<i32>} : memref<128xf32, #tpu.memory_space<vmem>>, vector<16xf32>,
        %max3A_580 = arith.maximumf %get3A_571, %gather3A_505 : vector<16xf32>
        %max3A_581 = arith.maximumf %get3A_573, %gather3A_506 : vector<16xf32>
        %min3A_582 = arith.minimumf %get3A_575, %gather3A_507 : vector<16xf32>
        %min3A_583 = arith.minimumf %get3A_577, %gather3A_508 : vector<16xf32>
        %sub3A_584 = arith.subf %min3A_582, %max3A_580 : vector<16xf32>
        %max3A_585 = arith.constant 0.000000e+00 : f32
        %max3A_586 = vector.broadcast %max3A_585 : f32 to vector<16xf32>
        %max3A_587 = arith.maximumf %sub3A_584, %max3A_586 : vector<16xf32>
        %sub3A_588 = arith.subf %min3A_583, %max3A_581 : vector<16xf32>
        %max3A_589 = arith.constant 0.000000e+00 : f32
        %max3A_590 = vector.broadcast %max3A_589 : f32 to vector<16xf32>
        %max3A_591 = arith.maximumf %sub3A_588, %max3A_590 : vector<16xf32>
        %mul3A_592 = arith.mulf %max3A_587, %max3A_591 : vector<16xf32>
        %add3A_593 = arith.addf %get3A_579, %mul3A_511 : vector<16xf32>
        %sub3A_594 = arith.subf %add3A_593, %mul3A_592 : vector<16xf32>
        %div3A_595 = arith.divf %mul3A_592, %sub3A_594 : vector<16xf32>
        %gt3A_596 = arith.constant 5.000000e-01 : f32
        %gt3A_597 = vector.broadcast %gt3A_596 : f32 to vector<16xf32>
        %gt3A_598 = arith.cmpf ogt, %div3A_595, %gt3A_597 : vector<16xf32>
        %or3A_599 = arith.ori %or3A_569, %gt3A_598 : vector<16xi1>
        %get3A_600 = arith.constant 48 : index
        %get3A_601 = tpu.vector_load %arg15[%get3A_600] {strides = array<i32>} : memref<128xf32, #tpu.memory_space<vmem>>, vector<16xf32>,
        %get3A_602 = arith.constant 48 : index
        %get3A_603 = tpu.vector_load %arg16[%get3A_602] {strides = array<i32>} : memref<128xf32, #tpu.memory_space<vmem>>, vector<16xf32>,
        %get3A_604 = arith.constant 48 : index
        %get3A_605 = tpu.vector_load %arg17[%get3A_604] {strides = array<i32>} : memref<128xf32, #tpu.memory_space<vmem>>, vector<16xf32>,
        %get3A_606 = arith.constant 48 : index
        %get3A_607 = tpu.vector_load %arg18[%get3A_606] {strides = array<i32>} : memref<128xf32, #tpu.memory_space<vmem>>, vector<16xf32>,
        %get3A_608 = arith.constant 48 : index
        %get3A_609 = tpu.vector_load %arg19[%get3A_608] {strides = array<i32>} : memref<128xf32, #tpu.memory_space<vmem>>, vector<16xf32>,
        %max3A_610 = arith.maximumf %get3A_601, %gather3A_505 : vector<16xf32>
        %max3A_611 = arith.maximumf %get3A_603, %gather3A_506 : vector<16xf32>
        %min3A_612 = arith.minimumf %get3A_605, %gather3A_507 : vector<16xf32>
        %min3A_613 = arith.minimumf %get3A_607, %gather3A_508 : vector<16xf32>
        %sub3A_614 = arith.subf %min3A_612, %max3A_610 : vector<16xf32>
        %max3A_615 = arith.constant 0.000000e+00 : f32
        %max3A_616 = vector.broadcast %max3A_615 : f32 to vector<16xf32>
        %max3A_617 = arith.maximumf %sub3A_614, %max3A_616 : vector<16xf32>
        %sub3A_618 = arith.subf %min3A_613, %max3A_611 : vector<16xf32>
        %max3A_619 = arith.constant 0.000000e+00 : f32
        %max3A_620 = vector.broadcast %max3A_619 : f32 to vector<16xf32>
        %max3A_621 = arith.maximumf %sub3A_618, %max3A_620 : vector<16xf32>
        %mul3A_622 = arith.mulf %max3A_617, %max3A_621 : vector<16xf32>
        %add3A_623 = arith.addf %get3A_609, %mul3A_511 : vector<16xf32>
        %sub3A_624 = arith.subf %add3A_623, %mul3A_622 : vector<16xf32>
        %div3A_625 = arith.divf %mul3A_622, %sub3A_624 : vector<16xf32>
        %gt3A_626 = arith.constant 5.000000e-01 : f32
        %gt3A_627 = vector.broadcast %gt3A_626 : f32 to vector<16xf32>
        %gt3A_628 = arith.cmpf ogt, %div3A_625, %gt3A_627 : vector<16xf32>
        %or3A_629 = arith.ori %or3A_599, %gt3A_628 : vector<16xi1>
        %get3A_630 = arith.constant 64 : index
        %get3A_631 = tpu.vector_load %arg15[%get3A_630] {strides = array<i32>} : memref<128xf32, #tpu.memory_space<vmem>>, vector<16xf32>,
        %get3A_632 = arith.constant 64 : index
        %get3A_633 = tpu.vector_load %arg16[%get3A_632] {strides = array<i32>} : memref<128xf32, #tpu.memory_space<vmem>>, vector<16xf32>,
        %get3A_634 = arith.constant 64 : index
        %get3A_635 = tpu.vector_load %arg17[%get3A_634] {strides = array<i32>} : memref<128xf32, #tpu.memory_space<vmem>>, vector<16xf32>,
        %get3A_636 = arith.constant 64 : index
        %get3A_637 = tpu.vector_load %arg18[%get3A_636] {strides = array<i32>} : memref<128xf32, #tpu.memory_space<vmem>>, vector<16xf32>,
        %get3A_638 = arith.constant 64 : index
        %get3A_639 = tpu.vector_load %arg19[%get3A_638] {strides = array<i32>} : memref<128xf32, #tpu.memory_space<vmem>>, vector<16xf32>,
        %max3A_640 = arith.maximumf %get3A_631, %gather3A_505 : vector<16xf32>
        %max3A_641 = arith.maximumf %get3A_633, %gather3A_506 : vector<16xf32>
        %min3A_642 = arith.minimumf %get3A_635, %gather3A_507 : vector<16xf32>
        %min3A_643 = arith.minimumf %get3A_637, %gather3A_508 : vector<16xf32>
        %sub3A_644 = arith.subf %min3A_642, %max3A_640 : vector<16xf32>
        %max3A_645 = arith.constant 0.000000e+00 : f32
        %max3A_646 = vector.broadcast %max3A_645 : f32 to vector<16xf32>
        %max3A_647 = arith.maximumf %sub3A_644, %max3A_646 : vector<16xf32>
        %sub3A_648 = arith.subf %min3A_643, %max3A_641 : vector<16xf32>
        %max3A_649 = arith.constant 0.000000e+00 : f32
        %max3A_650 = vector.broadcast %max3A_649 : f32 to vector<16xf32>
        %max3A_651 = arith.maximumf %sub3A_648, %max3A_650 : vector<16xf32>
        %mul3A_652 = arith.mulf %max3A_647, %max3A_651 : vector<16xf32>
        %add3A_653 = arith.addf %get3A_639, %mul3A_511 : vector<16xf32>
        %sub3A_654 = arith.subf %add3A_653, %mul3A_652 : vector<16xf32>
        %div3A_655 = arith.divf %mul3A_652, %sub3A_654 : vector<16xf32>
        %gt3A_656 = arith.constant 5.000000e-01 : f32
        %gt3A_657 = vector.broadcast %gt3A_656 : f32 to vector<16xf32>
        %gt3A_658 = arith.cmpf ogt, %div3A_655, %gt3A_657 : vector<16xf32>
        %or3A_659 = arith.ori %or3A_629, %gt3A_658 : vector<16xi1>
        %get3A_660 = arith.constant 80 : index
        %get3A_661 = tpu.vector_load %arg15[%get3A_660] {strides = array<i32>} : memref<128xf32, #tpu.memory_space<vmem>>, vector<16xf32>,
        %get3A_662 = arith.constant 80 : index
        %get3A_663 = tpu.vector_load %arg16[%get3A_662] {strides = array<i32>} : memref<128xf32, #tpu.memory_space<vmem>>, vector<16xf32>,
        %get3A_664 = arith.constant 80 : index
        %get3A_665 = tpu.vector_load %arg17[%get3A_664] {strides = array<i32>} : memref<128xf32, #tpu.memory_space<vmem>>, vector<16xf32>,
        %get3A_666 = arith.constant 80 : index
        %get3A_667 = tpu.vector_load %arg18[%get3A_666] {strides = array<i32>} : memref<128xf32, #tpu.memory_space<vmem>>, vector<16xf32>,
        %get3A_668 = arith.constant 80 : index
        %get3A_669 = tpu.vector_load %arg19[%get3A_668] {strides = array<i32>} : memref<128xf32, #tpu.memory_space<vmem>>, vector<16xf32>,
        %max3A_670 = arith.maximumf %get3A_661, %gather3A_505 : vector<16xf32>
        %max3A_671 = arith.maximumf %get3A_663, %gather3A_506 : vector<16xf32>
        %min3A_672 = arith.minimumf %get3A_665, %gather3A_507 : vector<16xf32>
        %min3A_673 = arith.minimumf %get3A_667, %gather3A_508 : vector<16xf32>
        %sub3A_674 = arith.subf %min3A_672, %max3A_670 : vector<16xf32>
        %max3A_675 = arith.constant 0.000000e+00 : f32
        %max3A_676 = vector.broadcast %max3A_675 : f32 to vector<16xf32>
        %max3A_677 = arith.maximumf %sub3A_674, %max3A_676 : vector<16xf32>
        %sub3A_678 = arith.subf %min3A_673, %max3A_671 : vector<16xf32>
        %max3A_679 = arith.constant 0.000000e+00 : f32
        %max3A_680 = vector.broadcast %max3A_679 : f32 to vector<16xf32>
        %max3A_681 = arith.maximumf %sub3A_678, %max3A_680 : vector<16xf32>
        %mul3A_682 = arith.mulf %max3A_677, %max3A_681 : vector<16xf32>
        %add3A_683 = arith.addf %get3A_669, %mul3A_511 : vector<16xf32>
        %sub3A_684 = arith.subf %add3A_683, %mul3A_682 : vector<16xf32>
        %div3A_685 = arith.divf %mul3A_682, %sub3A_684 : vector<16xf32>
        %gt3A_686 = arith.constant 5.000000e-01 : f32
        %gt3A_687 = vector.broadcast %gt3A_686 : f32 to vector<16xf32>
        %gt3A_688 = arith.cmpf ogt, %div3A_685, %gt3A_687 : vector<16xf32>
        %or3A_689 = arith.ori %or3A_659, %gt3A_688 : vector<16xi1>
        %get3A_690 = arith.constant 96 : index
        %get3A_691 = tpu.vector_load %arg15[%get3A_690] {strides = array<i32>} : memref<128xf32, #tpu.memory_space<vmem>>, vector<16xf32>,
        %get3A_692 = arith.constant 96 : index
        %get3A_693 = tpu.vector_load %arg16[%get3A_692] {strides = array<i32>} : memref<128xf32, #tpu.memory_space<vmem>>, vector<16xf32>,
        %get3A_694 = arith.constant 96 : index
        %get3A_695 = tpu.vector_load %arg17[%get3A_694] {strides = array<i32>} : memref<128xf32, #tpu.memory_space<vmem>>, vector<16xf32>,
        %get3A_696 = arith.constant 96 : index
        %get3A_697 = tpu.vector_load %arg18[%get3A_696] {strides = array<i32>} : memref<128xf32, #tpu.memory_space<vmem>>, vector<16xf32>,
        %get3A_698 = arith.constant 96 : index
        %get3A_699 = tpu.vector_load %arg19[%get3A_698] {strides = array<i32>} : memref<128xf32, #tpu.memory_space<vmem>>, vector<16xf32>,
        %max3A_700 = arith.maximumf %get3A_691, %gather3A_505 : vector<16xf32>
        %max3A_701 = arith.maximumf %get3A_693, %gather3A_506 : vector<16xf32>
        %min3A_702 = arith.minimumf %get3A_695, %gather3A_507 : vector<16xf32>
        %min3A_703 = arith.minimumf %get3A_697, %gather3A_508 : vector<16xf32>
        %sub3A_704 = arith.subf %min3A_702, %max3A_700 : vector<16xf32>
        %max3A_705 = arith.constant 0.000000e+00 : f32
        %max3A_706 = vector.broadcast %max3A_705 : f32 to vector<16xf32>
        %max3A_707 = arith.maximumf %sub3A_704, %max3A_706 : vector<16xf32>
        %sub3A_708 = arith.subf %min3A_703, %max3A_701 : vector<16xf32>
        %max3A_709 = arith.constant 0.000000e+00 : f32
        %max3A_710 = vector.broadcast %max3A_709 : f32 to vector<16xf32>
        %max3A_711 = arith.maximumf %sub3A_708, %max3A_710 : vector<16xf32>
        %mul3A_712 = arith.mulf %max3A_707, %max3A_711 : vector<16xf32>
        %add3A_713 = arith.addf %get3A_699, %mul3A_511 : vector<16xf32>
        %sub3A_714 = arith.subf %add3A_713, %mul3A_712 : vector<16xf32>
        %div3A_715 = arith.divf %mul3A_712, %sub3A_714 : vector<16xf32>
        %gt3A_716 = arith.constant 5.000000e-01 : f32
        %gt3A_717 = vector.broadcast %gt3A_716 : f32 to vector<16xf32>
        %gt3A_718 = arith.cmpf ogt, %div3A_715, %gt3A_717 : vector<16xf32>
        %or3A_719 = arith.ori %or3A_689, %gt3A_718 : vector<16xi1>
        %reduce_or3A = arith.constant 1.000000e+00 : f32
        %reduce_or3A_720 = arith.constant 0.000000e+00 : f32
        %reduce_or3A_721 = vector.broadcast %reduce_or3A : f32 to vector<16xf32>
        %reduce_or3A_722 = vector.broadcast %reduce_or3A_720 : f32 to vector<16xf32>
        %reduce_or3A_723 = arith.select %or3A_719, %reduce_or3A_721, %reduce_or3A_722 : vector<16xi1>, vector<16xf32>
        %reduce_or3A_724 = arith.constant true
        %reduce_or3A_725 = vector.broadcast %reduce_or3A_724 : i1 to vector<16xi1>
        %reduce_or3A_726 = tpu.scan <max>, %reduce_or3A_723 masked %reduce_or3A_725 : vector<16xf32>, vector<16xi1> -> vector<16xf32>
        %reduce_or3A_727 = vector.extract %reduce_or3A_726[15] : f32 from vector<16xf32>
        %reduce_or3A_728 = arith.constant 0.000000e+00 : f32
        %reduce_or3A_729 = arith.cmpf ogt, %reduce_or3A_727, %reduce_or3A_728 : f32
        %not3A = arith.constant true
        %not3A_730 = arith.xori %reduce_or3A_729, %not3A : i1
        %broadcast_in_dim3A_731 = arith.constant 0 : i32
        %broadcast_in_dim3A_732 = vector.broadcast %broadcast_in_dim3A_731 : i32 to vector<16xi32>
        %jit3A_733 = arith.constant 127 : i32
        %select_n3A_734 = arith.select %not3A_730, %while3A_382, %jit3A_733 : i32
        %add3A_735 = vector.broadcast %select_n3A_734 : i32 to vector<16xi32>
        %add3A_736 = arith.addi %broadcast_in_dim3A_732, %add3A_735 : vector<16xi32>
        tpu.vector_store_idx %arg15[%add3A_736], %gather3A_505 masked %eq3A_3 : memref<128xf32, #tpu.memory_space<vmem>>[vector<16xi32>], vector<16xf32>, vector<16xi1>
        tpu.vector_store_idx %arg16[%add3A_736], %gather3A_506 masked %eq3A_3 : memref<128xf32, #tpu.memory_space<vmem>>[vector<16xi32>], vector<16xf32>, vector<16xi1>
        tpu.vector_store_idx %arg17[%add3A_736], %gather3A_507 masked %eq3A_3 : memref<128xf32, #tpu.memory_space<vmem>>[vector<16xi32>], vector<16xf32>, vector<16xi1>
        tpu.vector_store_idx %arg18[%add3A_736], %gather3A_508 masked %eq3A_3 : memref<128xf32, #tpu.memory_space<vmem>>[vector<16xi32>], vector<16xf32>, vector<16xi1>
        tpu.vector_store_idx %arg19[%add3A_736], %mul3A_511 masked %eq3A_3 : memref<128xf32, #tpu.memory_space<vmem>>[vector<16xi32>], vector<16xf32>, vector<16xi1>
        %broadcast_in_dim3A_737 = arith.constant 0.000000e+00 : f32
        %broadcast_in_dim3A_738 = vector.broadcast %broadcast_in_dim3A_737 : f32 to vector<16xf32>
        %add3A_739 = vector.broadcast %while3A_383 : f32 to vector<16xf32>
        %add3A_740 = arith.addf %broadcast_in_dim3A_738, %add3A_739 : vector<16xf32>
        tpu.vector_store_idx %arg20[%add3A_736], %add3A_740 masked %eq3A_3 : memref<128xf32, #tpu.memory_space<vmem>>[vector<16xi32>], vector<16xf32>, vector<16xi1>
        tpu.vector_store_idx %arg21[%add3A_736], %gather3A_509 masked %eq3A_3 : memref<128xi32, #tpu.memory_space<vmem>>[vector<16xi32>], vector<16xi32>, vector<16xi1>
        %broadcast_in_dim3A_741 = arith.constant 0xFF800000 : f32
        %broadcast_in_dim3A_742 = vector.broadcast %broadcast_in_dim3A_741 : f32 to vector<16xf32>
        tpu.vector_store_idx %arg7[%add3A_458], %broadcast_in_dim3A_742 masked %eq3A_3 : memref<20480xf32, #tpu.memory_space<vmem>>[vector<16xi32>], vector<16xf32>, vector<16xi1>
        %broadcast_in_dim3A_743 = arith.constant 0.000000e+00 : f32
        %broadcast_in_dim3A_744 = vector.broadcast %broadcast_in_dim3A_743 : f32 to vector<16xf32>
        %add3A_745 = vector.broadcast %reduce_max3A_504 : f32 to vector<16xf32>
        %add3A_746 = arith.addf %broadcast_in_dim3A_744, %add3A_745 : vector<16xf32>
        tpu.vector_store_idx %arg13[%add3A_408], %add3A_746 masked %eq3A_3 : memref<320xf32, #tpu.memory_space<vmem>>[vector<16xi32>], vector<16xf32>, vector<16xi1>
        %max3A_747 = arith.maximumf %reduce_max3A_504, %reduce_max3A_465 : f32
        %eq3A_748 = arith.cmpi eq, %iota3A, %select_n3A : vector<16xi32>
        %broadcast_in_dim3A_749 = vector.broadcast %max3A_747 : f32 to vector<16xf32>
        %select_n3A_750 = arith.select %eq3A_748, %broadcast_in_dim3A_749, %while3A_384 : vector<16xi1>, vector<16xf32>
        %add3A_751 = arith.constant 16 : i32
        %add3A_752 = vector.broadcast %add3A_751 : i32 to vector<16xi32>
        %add3A_753 = arith.addi %iota3A, %add3A_752 : vector<16xi32>
        %eq3A_754 = arith.cmpi eq, %add3A_753, %select_n3A : vector<16xi32>
        %broadcast_in_dim3A_755 = vector.broadcast %max3A_747 : f32 to vector<16xf32>
        %select_n3A_756 = arith.select %eq3A_754, %broadcast_in_dim3A_755, %while3A_385 : vector<16xi1>, vector<16xf32>
        %max3A_757 = arith.maximumf %max3A_747, %reduce_max3A_481 : f32
        %jit3A_758 = arith.constant 1 : i32
        %jit3A_759 = arith.constant 0 : i32
        %select_n3A_760 = arith.select %not3A_730, %jit3A_758, %jit3A_759 : i32
        %add3A_761 = arith.addi %while3A_382, %select_n3A_760 : i32
        scf.yield %add3A_761, %max3A_757, %select_n3A_750, %select_n3A_756 : i32, f32, vector<16xf32>, vector<16xf32>
      }
      %mul3A_350 = arith.constant 5 : i32
      %mul3A_351 = arith.muli %arg1, %mul3A_350 : i32
      %add3A_352 = arith.constant 0 : i32
      %add3A_353 = arith.addi %mul3A_351, %add3A_352 : i32
      %mul3A_354 = arith.constant 128 : i32
      %mul3A_355 = arith.muli %add3A_353, %mul3A_354 : i32
      "tpu.region"() ({
        %run_scoped3A = tpu.sem_alloc : memref<!tpu.dma_semaphore, #tpu.memory_space<semaphore_mem>>
        %dma_start3A_382 = tpu.memref_slice %arg5[%mul3A_355] : memref<2560xf32, #tpu.memory_space<hbm>> -> memref<128xf32, #tpu.memory_space<hbm>>
        %dma_start3A_383 = tpu.memref_slice %arg5[%mul3A_355] : memref<2560xf32, #tpu.memory_space<hbm>> -> memref<128xf32, #tpu.memory_space<hbm>>
        tpu.enqueue_dma source(%arg15 : memref<128xf32, #tpu.memory_space<vmem>>) target(%dma_start3A_383 : memref<128xf32, #tpu.memory_space<hbm>>) target_semaphore(%run_scoped3A : memref<!tpu.dma_semaphore, #tpu.memory_space<semaphore_mem>>)
        %dma_wait3A_384 = tpu.memref_slice %arg5[%mul3A_355] : memref<2560xf32, #tpu.memory_space<hbm>> -> memref<128xf32, #tpu.memory_space<hbm>>
        %dma_wait3A_385 = tpu.memref_slice %arg5[%mul3A_355] : memref<2560xf32, #tpu.memory_space<hbm>> -> memref<128xf32, #tpu.memory_space<hbm>>
        tpu.wait_dma2 semaphore(%run_scoped3A : memref<!tpu.dma_semaphore, #tpu.memory_space<semaphore_mem>>) src(%arg15 : memref<128xf32, #tpu.memory_space<vmem>>) dst(%dma_wait3A_385 : memref<128xf32, #tpu.memory_space<hbm>>)
        tpu.yield
      }) : () -> ()
      %mul3A_356 = arith.constant 5 : i32
      %mul3A_357 = arith.muli %arg1, %mul3A_356 : i32
      %add3A_358 = arith.constant 1 : i32
      %add3A_359 = arith.addi %mul3A_357, %add3A_358 : i32
      %mul3A_360 = arith.constant 128 : i32
      %mul3A_361 = arith.muli %add3A_359, %mul3A_360 : i32
      "tpu.region"() ({
        %run_scoped3A = tpu.sem_alloc : memref<!tpu.dma_semaphore, #tpu.memory_space<semaphore_mem>>
        %dma_start3A_382 = tpu.memref_slice %arg5[%mul3A_361] : memref<2560xf32, #tpu.memory_space<hbm>> -> memref<128xf32, #tpu.memory_space<hbm>>
        %dma_start3A_383 = tpu.memref_slice %arg5[%mul3A_361] : memref<2560xf32, #tpu.memory_space<hbm>> -> memref<128xf32, #tpu.memory_space<hbm>>
        tpu.enqueue_dma source(%arg16 : memref<128xf32, #tpu.memory_space<vmem>>) target(%dma_start3A_383 : memref<128xf32, #tpu.memory_space<hbm>>) target_semaphore(%run_scoped3A : memref<!tpu.dma_semaphore, #tpu.memory_space<semaphore_mem>>)
        %dma_wait3A_384 = tpu.memref_slice %arg5[%mul3A_361] : memref<2560xf32, #tpu.memory_space<hbm>> -> memref<128xf32, #tpu.memory_space<hbm>>
        %dma_wait3A_385 = tpu.memref_slice %arg5[%mul3A_361] : memref<2560xf32, #tpu.memory_space<hbm>> -> memref<128xf32, #tpu.memory_space<hbm>>
        tpu.wait_dma2 semaphore(%run_scoped3A : memref<!tpu.dma_semaphore, #tpu.memory_space<semaphore_mem>>) src(%arg16 : memref<128xf32, #tpu.memory_space<vmem>>) dst(%dma_wait3A_385 : memref<128xf32, #tpu.memory_space<hbm>>)
        tpu.yield
      }) : () -> ()
      %mul3A_362 = arith.constant 5 : i32
      %mul3A_363 = arith.muli %arg1, %mul3A_362 : i32
      %add3A_364 = arith.constant 2 : i32
      %add3A_365 = arith.addi %mul3A_363, %add3A_364 : i32
      %mul3A_366 = arith.constant 128 : i32
      %mul3A_367 = arith.muli %add3A_365, %mul3A_366 : i32
      "tpu.region"() ({
        %run_scoped3A = tpu.sem_alloc : memref<!tpu.dma_semaphore, #tpu.memory_space<semaphore_mem>>
        %dma_start3A_382 = tpu.memref_slice %arg5[%mul3A_367] : memref<2560xf32, #tpu.memory_space<hbm>> -> memref<128xf32, #tpu.memory_space<hbm>>
        %dma_start3A_383 = tpu.memref_slice %arg5[%mul3A_367] : memref<2560xf32, #tpu.memory_space<hbm>> -> memref<128xf32, #tpu.memory_space<hbm>>
        tpu.enqueue_dma source(%arg17 : memref<128xf32, #tpu.memory_space<vmem>>) target(%dma_start3A_383 : memref<128xf32, #tpu.memory_space<hbm>>) target_semaphore(%run_scoped3A : memref<!tpu.dma_semaphore, #tpu.memory_space<semaphore_mem>>)
        %dma_wait3A_384 = tpu.memref_slice %arg5[%mul3A_367] : memref<2560xf32, #tpu.memory_space<hbm>> -> memref<128xf32, #tpu.memory_space<hbm>>
        %dma_wait3A_385 = tpu.memref_slice %arg5[%mul3A_367] : memref<2560xf32, #tpu.memory_space<hbm>> -> memref<128xf32, #tpu.memory_space<hbm>>
        tpu.wait_dma2 semaphore(%run_scoped3A : memref<!tpu.dma_semaphore, #tpu.memory_space<semaphore_mem>>) src(%arg17 : memref<128xf32, #tpu.memory_space<vmem>>) dst(%dma_wait3A_385 : memref<128xf32, #tpu.memory_space<hbm>>)
        tpu.yield
      }) : () -> ()
      %mul3A_368 = arith.constant 5 : i32
      %mul3A_369 = arith.muli %arg1, %mul3A_368 : i32
      %add3A_370 = arith.constant 3 : i32
      %add3A_371 = arith.addi %mul3A_369, %add3A_370 : i32
      %mul3A_372 = arith.constant 128 : i32
      %mul3A_373 = arith.muli %add3A_371, %mul3A_372 : i32
      "tpu.region"() ({
        %run_scoped3A = tpu.sem_alloc : memref<!tpu.dma_semaphore, #tpu.memory_space<semaphore_mem>>
        %dma_start3A_382 = tpu.memref_slice %arg5[%mul3A_373] : memref<2560xf32, #tpu.memory_space<hbm>> -> memref<128xf32, #tpu.memory_space<hbm>>
        %dma_start3A_383 = tpu.memref_slice %arg5[%mul3A_373] : memref<2560xf32, #tpu.memory_space<hbm>> -> memref<128xf32, #tpu.memory_space<hbm>>
        tpu.enqueue_dma source(%arg18 : memref<128xf32, #tpu.memory_space<vmem>>) target(%dma_start3A_383 : memref<128xf32, #tpu.memory_space<hbm>>) target_semaphore(%run_scoped3A : memref<!tpu.dma_semaphore, #tpu.memory_space<semaphore_mem>>)
        %dma_wait3A_384 = tpu.memref_slice %arg5[%mul3A_373] : memref<2560xf32, #tpu.memory_space<hbm>> -> memref<128xf32, #tpu.memory_space<hbm>>
        %dma_wait3A_385 = tpu.memref_slice %arg5[%mul3A_373] : memref<2560xf32, #tpu.memory_space<hbm>> -> memref<128xf32, #tpu.memory_space<hbm>>
        tpu.wait_dma2 semaphore(%run_scoped3A : memref<!tpu.dma_semaphore, #tpu.memory_space<semaphore_mem>>) src(%arg18 : memref<128xf32, #tpu.memory_space<vmem>>) dst(%dma_wait3A_385 : memref<128xf32, #tpu.memory_space<hbm>>)
        tpu.yield
      }) : () -> ()
      %mul3A_374 = arith.constant 5 : i32
      %mul3A_375 = arith.muli %arg1, %mul3A_374 : i32
      %add3A_376 = arith.constant 4 : i32
      %add3A_377 = arith.addi %mul3A_375, %add3A_376 : i32
      %mul3A_378 = arith.constant 128 : i32
      %mul3A_379 = arith.muli %add3A_377, %mul3A_378 : i32
      "tpu.region"() ({
        %run_scoped3A = tpu.sem_alloc : memref<!tpu.dma_semaphore, #tpu.memory_space<semaphore_mem>>
        %dma_start3A_382 = tpu.memref_slice %arg5[%mul3A_379] : memref<2560xf32, #tpu.memory_space<hbm>> -> memref<128xf32, #tpu.memory_space<hbm>>
        %dma_start3A_383 = tpu.memref_slice %arg5[%mul3A_379] : memref<2560xf32, #tpu.memory_space<hbm>> -> memref<128xf32, #tpu.memory_space<hbm>>
        tpu.enqueue_dma source(%arg20 : memref<128xf32, #tpu.memory_space<vmem>>) target(%dma_start3A_383 : memref<128xf32, #tpu.memory_space<hbm>>) target_semaphore(%run_scoped3A : memref<!tpu.dma_semaphore, #tpu.memory_space<semaphore_mem>>)
        %dma_wait3A_384 = tpu.memref_slice %arg5[%mul3A_379] : memref<2560xf32, #tpu.memory_space<hbm>> -> memref<128xf32, #tpu.memory_space<hbm>>
        %dma_wait3A_385 = tpu.memref_slice %arg5[%mul3A_379] : memref<2560xf32, #tpu.memory_space<hbm>> -> memref<128xf32, #tpu.memory_space<hbm>>
        tpu.wait_dma2 semaphore(%run_scoped3A : memref<!tpu.dma_semaphore, #tpu.memory_space<semaphore_mem>>) src(%arg20 : memref<128xf32, #tpu.memory_space<vmem>>) dst(%dma_wait3A_385 : memref<128xf32, #tpu.memory_space<hbm>>)
        tpu.yield
      }) : () -> ()
      %mul3A_380 = arith.constant 128 : i32
      %mul3A_381 = arith.muli %arg1, %mul3A_380 : i32
      "tpu.region"() ({
        %run_scoped3A = tpu.sem_alloc : memref<!tpu.dma_semaphore, #tpu.memory_space<semaphore_mem>>
        %dma_start3A_382 = tpu.memref_slice %arg6[%mul3A_381] : memref<512xi32, #tpu.memory_space<hbm>> -> memref<128xi32, #tpu.memory_space<hbm>>
        %dma_start3A_383 = tpu.memref_slice %arg6[%mul3A_381] : memref<512xi32, #tpu.memory_space<hbm>> -> memref<128xi32, #tpu.memory_space<hbm>>
        tpu.enqueue_dma source(%arg21 : memref<128xi32, #tpu.memory_space<vmem>>) target(%dma_start3A_383 : memref<128xi32, #tpu.memory_space<hbm>>) target_semaphore(%run_scoped3A : memref<!tpu.dma_semaphore, #tpu.memory_space<semaphore_mem>>)
        %dma_wait3A_384 = tpu.memref_slice %arg6[%mul3A_381] : memref<512xi32, #tpu.memory_space<hbm>> -> memref<128xi32, #tpu.memory_space<hbm>>
        %dma_wait3A_385 = tpu.memref_slice %arg6[%mul3A_381] : memref<512xi32, #tpu.memory_space<hbm>> -> memref<128xi32, #tpu.memory_space<hbm>>
        tpu.wait_dma2 semaphore(%run_scoped3A : memref<!tpu.dma_semaphore, #tpu.memory_space<semaphore_mem>>) src(%arg21 : memref<128xi32, #tpu.memory_space<vmem>>) dst(%dma_wait3A_385 : memref<128xi32, #tpu.memory_space<hbm>>)
        tpu.yield
      }) : () -> ()
    } else {
    }
    return
  }
}

</mosaic_0001>

<sc_bundles>
// kernel: kernel.3.cloned.1.call-start
scs
__scs_entry_jumppad:
0x0: {  	(pc) =	sbr.rel $0x88, $3  }
0x1: {  	(tag) =	ssettag $0x0;
	lr =	simm.s32 $0x1  }
0x2: {  	[smem:$0x3F9E] =	sst lr;
	_ =	strace $0xD0000000  }
0x3: {  	_ = 	snop  }
0x4: {  	_ = 	snop  }
0x5: {  	_ = 	snop  }
0x6: {  	_ = 	snop  }
0x7: {  	_ = 	snop  }
__scs_overlays_trampoline_lowered:
0x8: {  	[smem:$0x3FAD] =	sst s0  }
0x9: {  	[smem:$0x3FAE] =	sst s1  }
0xa: {  	[smem:$0x3FAF] =	sst s2  }
0xb: {  	[smem:$0x3FB0] =	sst s3  }
0xc: {  	[smem:$0x3FB1] =	sst s4  }
0xd: {  	[smem:$0x3FB2] =	sst s5  }
0xe: {  	[smem:$0x3FB3] =	sst s6  }
0xf: {  	[smem:$0x3FB4] =	sst s7  }
0x10: {  	[smem:$0x3FB5] =	sst s8  }
0x11: {  	[smem:$0x3FB6] =	sst s9;
	s0 =	simm.s32 @!p0 $0x0  }
0x12: {  	s1 =	sld [smem:$0x3F9C];
	s0 =	simm.s32 @p0 $0x1  }
0x13: {  	[smem:$0x3FB7] =	sst s0;
	s0 =	simm.s32 @!p1 $0x0  }
0x14: {  	s2 =	sld [smem:$0x3F9B];
	s0 =	simm.s32 @p1 $0x1  }
0x15: {  	[smem:$0x3FB8] =	sst s0;
	s0 =	simm.s32 @!p2 $0x0  }
0x16: {  	s3 =	sld [smem:$0x3FDB];
	s0 =	simm.s32 @p2 $0x1  }
0x17: {  	s4 =	simm.s32 $0x1BF5;
	[smem:$0x3FBA] =	sst s0  }
0x18: {  	s0 =	sld [smem:$0x3F9D];
	_ =	swait.ge [sflag:s4], $0x0  }
0x19: {  	s7 =	sld [smem:$0x3F9E]  }
0x1a: {  	s8 =	sadd.s32 $0xFFFFE003, lr  }
0x1b: {  	s9 =	sadd.s32 $0xFFFFFEF7, lr;
	s5 =	simm.s32 $0xFFFFFFFF;
	p2 =	slt.u32 s8, $0xFFFFF086  }
0x1c: {  	p1 =	slt.u32 s9, $0xF7A;
	s5 =	simm.s32 @!p2 $0x0  }
0x1d: {  	s5 =	simm.s32 @p1 $0x1;
	p0 =	seq.s32 s7, s2  }
0x1e: {  	s7 =	smul.u32 @!p0 $0xF7A, s2;
	p2 =	seq.s32 @!p0 s5, $0x0  }
0x1f: {  	s9 =	smul.u32 $0xF7A, s1;
	s8 =	simm.s32 @!p0 $0x1BF5;
	p2 =	por !p2, p0  }
0x20: {  	[sflag:s8] =	ssyncset.s32 @!p0 $0xFFFFF086;
	s6 =	sadd.s32 @!p0 s3, s7;
	s7 =	simm.s32 @!p0 $0x108  }
0x21: {  	s3 =	sadd.s32 s3, s9;
	s6 =	sadd.s32 @!p0 $0x88, s6;
	s7 =	simm.s32 @p2 $0x1082  }
0x22: {  	[simem:s7], [sflag:s8] =	dma.local @!p0 [hbm:s6], $0xF7A  }
0x23: {  	s9 =	sor.u32 $0xD0000000, s2;
	s6 =	simm.s32 $0x108;
	_ =	swait.ge @!p0 [sflag:s8], $0x0  }
0x24: {  	s3 =	sadd.s32 $0x88, s3;
	s6 =	simm.s32 @!p1 $0x1082;
	[sflag:s4] =	ssyncset.s32 $0xFFFFF086  }
0x25: {  	[simem:s6], [sflag:s4] =	dma.local [hbm:s3], $0xF7A  }
0x26: {  	[smem:$0x3F9E] =	sst s1;
	(tag) =	ssettag s2;
	_ =	strace s9  }
0x27: {  	s1 =	sld [smem:$0x3FAE]  }
0x28: {  	s2 =	sld [smem:$0x3FAF]  }
0x29: {  	s4 =	sld [smem:$0x3FB1]  }
0x2a: {  	p0 =	seq.s32 s5, $0x0;
	s5 =	sld [smem:$0x3FB2]  }
0x2b: {  	s6 =	sld [smem:$0x3FB3]  }
0x2c: {  	s7 =	sld [smem:$0x3FB4]  }
0x2d: {  	s3 =	simm.s32 $0x108;
	s8 =	sld [smem:$0x3FB5]  }
0x2e: {  	s3 =	simm.s32 @!p0 $0x1082;
	s9 =	sld [smem:$0x3FB6]  }
0x2f: {  	lr =	sadd.s32 s0, s3;
	s0 =	sld [smem:$0x3FAD]  }
0x30: {  	s3 =	sld [smem:$0x3FB0]  }
0x31: {  	[smem:$0x3FB9] =	sst s10  }
0x32: {  	s10 =	sld [smem:$0x3FB7];
	_ =	sdelay $0x3  }
0x33: {  	p0 =	seq.s32 s10, $0x1;
	s10 =	sld [smem:$0x3FB9];
	_ =	sdelay $0x3  }
0x34: {  	[smem:$0x3FB9] =	sst s10  }
0x35: {  	s10 =	sld [smem:$0x3FB8];
	_ =	sdelay $0x3  }
0x36: {  	p1 =	seq.s32 s10, $0x1;
	s10 =	sld [smem:$0x3FB9];
	_ =	sdelay $0x3  }
0x37: {  	[smem:$0x3FB9] =	sst s10  }
0x38: {  	s10 =	sld [smem:$0x3FBA]  }
0x39: {  	_ = 	snop;
	(pc) =	sbr.ind lr, $3  }
0x3a: {  	_ = 	snop  }
0x3b: {  	_ = 	snop  }
0x3c: {  	p2 =	seq.s32 s10, $0x1;
	s10 =	sld [smem:$0x3FB9]  }
0x3d: {  	_ =	shalt  }
0x3e: {  	_ =	shalt  }
0x3f: {  	_ =	shalt  }
0x40: {  	_ =	shalt  }
0x41: {  	_ =	shalt  }
0x42: {  	_ =	shalt  }
0x43: {  	_ =	shalt  }
0x44: {  	_ =	shalt  }
0x45: {  	_ =	shalt  }
0x46: {  	_ =	shalt  }
0x47: {  	_ =	shalt  }
0x48: {  	_ =	shalt  }
0x49: {  	_ =	shalt  }
0x4a: {  	_ =	shalt  }
0x4b: {  	_ =	shalt  }
0x4c: {  	_ =	shalt  }
0x4d: {  	_ =	shalt  }
0x4e: {  	_ =	shalt  }
0x4f: {  	_ =	shalt  }
0x50: {  	_ =	shalt  }
0x51: {  	_ =	shalt  }
0x52: {  	_ =	shalt  }
0x53: {  	_ =	shalt  }
0x54: {  	_ =	shalt  }
0x55: {  	_ =	shalt  }
0x56: {  	_ =	shalt  }
0x57: {  	_ =	shalt  }
0x58: {  	_ =	shalt  }
0x59: {  	_ =	shalt  }
0x5a: {  	_ =	shalt  }
0x5b: {  	_ =	shalt  }
0x5c: {  	_ =	shalt  }
0x5d: {  	_ =	shalt  }
0x5e: {  	_ =	shalt  }
0x5f: {  	_ =	shalt  }
0x60: {  	_ =	shalt  }
0x61: {  	_ =	shalt  }
0x62: {  	_ =	shalt  }
0x63: {  	_ =	shalt  }
0x64: {  	_ =	shalt  }
0x65: {  	_ =	shalt  }
0x66: {  	_ =	shalt  }
0x67: {  	_ =	shalt  }
0x68: {  	_ =	shalt  }
0x69: {  	_ =	shalt  }
0x6a: {  	_ =	shalt  }
0x6b: {  	_ =	shalt  }
0x6c: {  	_ =	shalt  }
0x6d: {  	_ =	shalt  }
0x6e: {  	_ =	shalt  }
0x6f: {  	_ =	shalt  }
0x70: {  	_ =	shalt  }
0x71: {  	_ =	shalt  }
0x72: {  	_ =	shalt  }
0x73: {  	_ =	shalt  }
0x74: {  	_ =	shalt  }
0x75: {  	_ =	shalt  }
0x76: {  	_ =	shalt  }
0x77: {  	_ =	shalt  }
0x78: {  	_ =	shalt  }
0x79: {  	_ =	shalt  }
0x7a: {  	_ =	shalt  }
0x7b: {  	_ =	shalt  }
0x7c: {  	_ =	shalt  }
0x7d: {  	_ =	shalt  }
0x7e: {  	_ =	shalt  }
0x7f: {  	_ =	shalt  }
0x80: {  	_ =	shalt  }
0x81: {  	_ =	shalt  }
0x82: {  	_ =	shalt  }
0x83: {  	_ =	shalt  }
0x84: {  	_ =	shalt  }
0x85: {  	_ =	shalt  }
0x86: {  	_ =	shalt  }
0x87: {  	_ =	shalt  }
.Lfunc_end0:
.L_simem_size_0:
called_computation_lowered:
.L_overlay_start_0:
0x88: {  	s0 =	sld [smem:$0x3FD9]  }
0x89: {  	s1 =	sld [smem:$0x3FFE];
	_ =	sdelay $0x3  }
0x8a: {  	s0 =	sadd.s32 s1, s0  }
0x8b: {  	[smem:$0x3FC5] =	sst s0  }
0x8c: {  	_ = 	snop  }
0x8d: {  	s0 =	sld [smem:$0x3FD0];
	_ =	sdelay $0x2  }
0x8e: {  	s13 =	simm.s32 $0xA;
	s2 =	simm.s32 $0x10  }
0x8f: {  	[smem:s2], [sflag:s13] =	dma.local [hbm:s0], $0x1  }
0x90: {  	_ =	swait.eq [sflag:s13], $0x1  }
0x91: {  	[sflag:s13] =	ssyncset.done $0x0  }
0x92: {  	[sflag:s13] =	ssyncadd.s32 $0xFFFFFFFF  }
0x93: {  	s14 =	sld [smem:$0x12];
	(tm) =	ssettm $0x1  }
0x94: {  	s15 =	sld [smem:$0x3FFB];
	_ =	sdelay $0x3  }
0x95: {  	_ =	strace s15  }
0x96: {  	s1 =	sld [smem:$0x3FFC];
	_ =	sdelay $0x3  }
0x97: {  	_ =	strace s1  }
0x98: {  	s1 =	sld [smem:$0x3FFD];
	_ =	sdelay $0x3  }
0x99: {  	_ =	strace s1  }
0x9a: {  	_ =	strace $0x8FFFFFFF  }
0x9b: {  	s16 =	sld [smem:$0x3FDB];
	_ =	sdelay $0x1  }
0x9c: {  	s17 =	simm.s32 $_scs_section_size  }
0x9d: {  	s3 =	simm.s32 $_size__tile_overlayer_lowered;
	s4 =	simm.s32 $_tile_overlayer_lowered  }
0x9e: {  	s20 =	simm.s32 $0x1BFF;
	s19 =	sshll.u32 s4, $0x1;
	s1 =	sadd.s32 s17, s16  }
0x9f: {  	s5 =	simm.s32 $0x0;
	s18 =	sshll.u32 s3, $0x1;
	s3 =	sadd.s32 s19, s1  }
0xa0: {  	[timem:s5], [sflag:s20] =	dma.local [hbm:s3], s18  }
0xa1: {  	_ =	swait.ge [sflag:s20], s18  }
0xa2: {  	s2 =	ssub.s32 $0x0, s18;
	[sflag:s20] =	ssyncset.done $0x0  }
0xa3: {  	[sflag:s20] =	ssyncadd.s32 s2;
	_ =	sdelay $0x1  }
0xa4: {  	s21 =	simm.s32 $0x1B8B  }
0xa5: {  	_ =	swait.ge [sflag:s21], $0x1  }
0xa6: {  	[sflag:s21] =	ssyncset.done $0x0  }
0xa7: {  	s23 =	simm.s32 $0x1B8E;
	s22 =	sld [smem:$0x3FFE];
	[sflag:s21] =	ssyncadd.s32 $0xFFFFFFFF  }
0xa8: {  	s24 =	simm.s32 $execute0_lowered;
	[smem:$0x3FD2] =	sst s23  }
0xa9: {  	s3 =	sshll.u32 s24, $0x1;
	_ =	strace $0x80000046;
	[dreg:$0x1] =	wrdreg $0xFFFFFFFF  }
0xaa: {  	s25 =	simm.s32 $_size_execute0_lowered;
	s1 =	sadd.s32 s1, s3;
	[dreg:$0x0] =	wrdreg $0x0  }
0xab: {  	s3 =	sshll.u32 s25, $0x1;
	[dreg:$0x2] =	wrdreg s1  }
0xac: {  	[dreg:$0x3] =	wrdreg s3  }
0xad: {  	[dreg:$0x4] =	wrdreg $0xC0  }
0xae: {  	_ =	task [dreg:s5], $0x5FFFF  }
0xaf: {  	[dreg:$0x1] =	wrdreg $0xFFFFFFFF  }
0xb0: {  	[dreg:$0x0] =	wrdreg $0x60  }
0xb1: {  	[dreg:$0x2] =	wrdreg s22  }
0xb2: {  	[dreg:$0x3] =	wrdreg s14  }
0xb3: {  	[dreg:$0x4] =	wrdreg $0x9  }
0xb4: {  	_ =	task.clear_ibuf [dreg:s5], $0x5FFFF;
	_ =	strace $0x90000046  }
0xb5: {  	s26 =	simm.s32 $0x9;
	_ =	strace $0x80000048  }
0xb6: {  	_ =	swait.ge [sflag:s26], $0x1  }
0xb7: {  	[sflag:s26] =	ssyncadd.s32 $0xFFFFFFFF  }
0xb8: {  	_ =	strace $0x90000048  }
0xb9: {  	_ =	sfence  }
0xba: {  	s28 =	sld [smem:$0x0];
	_ =	sdelay $0x1  }
0xbb: {  	s29 =	srdreg.scid  }
0xbc: {  	s30 =	sshll.u32 s29, $0xD;
	s31 =	sshrl.u32 s29, $0x2  }
0xbd: {  	s2 =	sand.u32 $0x4000, s30;
	s1 =	sand.u32 $0x1, s29;
	s0 =	sadd.s32 s31, s28  }
0xbe: {  	s1 =	sor.u32 s2, s1;
	s0 =	sshll.u32 s0, $0x11  }
0xbf: {  	s0 =	sor.u32 s0, s1  }
0xc0: {  	s0 =	sadd.s32 $0x8F2B, s0  }
0xc1: {  	[sflag:s0] =	ssyncadd.remote.s32 $0x1  }
0xc2: {  	_ =	sfence.sel $0xFFFF  }
0xc3: {  	[dreg:$0x0] =	wrdreg $0xFFFFFFFF;
	(pc) =	sbr.abs _section_cstart, $3  }
0xc4: {  	[dreg:$0x1] =	wrdreg $0xFFFFFFFF  }
0xc5: {  	_ =	task.clear_ibuf [dreg:s5], $0x2FFFF;
	_ =	strace $0x9FFFFFFF  }
0xc6: {  	(tm) =	ssettm $0x7FFFFFFF  }
0xc7: {  	_ =	shalt  }
tec
execute0_lowered:
.L_overlay_start_1:
0x0: {  	(tag) =	ssettag $0x1  }
0x1: {  	s1 =	stileid.u32  }
0x2: {  	p0 =	sgt.u32 s1, $0x3  }
.Ltmp0:
0x3: {  	_ = 	snop;
	(pc) =	sbr.rel @p0 .LBB2_15-.Ltmp0, $4  }
0x4: {  	s3 =	rddreg [dreg:$0x0]  }
0x5: {  	s2 =	rddreg [dreg:$0x1];
	s8 =	simm.s32 $0x0  }
0x6: {  	[smem:$0x7FF] =	sst s8  }
0x7: {  	s0 =	rddreg [dreg:$0x2];
	_ =	strace $0x80000047  }
0x8: {  	s4 =	smul.u32 $0x9C4, s1  }
0x9: {  	s5 =	smul.u32 $0x13880, s1  }
0xa: {  	s6 =	sadd.s32 $0x5A00, s3;
	s7 =	sadd.s32 $0xA00, s3  }
0xb: {  	s9 =	smul.u32 $0x2710, s1;
	s5 =	sshrl.u32 s5, $0x3;
	s7 =	sadd.s32 s7, s4  }
0xc: {  	[tilespmem:s8], [sflag:$0x1] =	stream.linear.gather [hbm4b:s7+s8], $0x4E20, $0x38;
	[tilespmem:$0x1DB80] =	vst v63  }
0xd: {  	s29 =	simm.s32 $0x5000;
	s5 =	sadd.s32 s6, s5;
	s6 =	sadd.s32 s6, s9  }
0xe: {  	[tilespmem:s29], [sflag:$0x2] =	stream.linear.gather [hbm4b:s6+s8], $0x4E20, $0x38;
	[tilespmem:$0x1DB80] =	vst v63  }
0xf: {  	s31 =	simm.s32 $0x9E20;
	s30 =	sadd.s32 $0x9C4, s5  }
0x10: {  	[tilespmem:s31], [sflag:$0x3] =	stream.linear.gather [hbm4b:s30+s8], $0x4E20, $0x38;
	[tilespmem:$0x1DB80] =	vst v63  }
0x11: {  	s10 =	simm.s32 $0xEC40;
	s9 =	sadd.s32 $0x1388, s5  }
0x12: {  	[tilespmem:s10], [sflag:$0x4] =	stream.linear.gather [hbm4b:s9+s8], $0x4E20, $0x38;
	[tilespmem:$0x1DB80] =	vst v63  }
0x13: {  	s11 =	sadd.s32 $0x3200, s3;
	s12 =	simm.s32 $0x13A60;
	s5 =	sadd.s32 $0x1D4C, s5  }
0x14: {  	[tilespmem:s12], [sflag:$0x5] =	stream.linear.gather [hbm4b:s5+s8], $0x4E20, $0x38;
	[tilespmem:$0x1DB80] =	vst v63  }
0x15: {  	s13 =	simm.s32 $0x18880;
	s4 =	sadd.s32 s11, s4  }
0x16: {  	v1 =	vimm.f32 $-Inf;
	[tilespmem:s13], [sflag:$0x6] =	stream.linear.gather [hbm4b:s4+s8], $0x4E20, $0x38;
	[tilespmem:$0x1DB80] =	vst v63  }
0x17: {  	[tilespmem:$0x4E20] =	vst v1  }
0x18: {  	[tilespmem:$0x4E30] =	vst v1  }
0x19: {  	[tilespmem:$0x4E40] =	vst v1  }
0x1a: {  	[tilespmem:$0x4E50] =	vst v1  }
0x1b: {  	[tilespmem:$0x4E60] =	vst v1  }
0x1c: {  	[tilespmem:$0x4E70] =	vst v1  }
0x1d: {  	[tilespmem:$0x4E80] =	vst v1  }
0x1e: {  	[tilespmem:$0x4E90] =	vst v1  }
0x1f: {  	[tilespmem:$0x4EA0] =	vst v1  }
0x20: {  	[tilespmem:$0x4EB0] =	vst v1  }
0x21: {  	[tilespmem:$0x4EC0] =	vst v1  }
0x22: {  	[tilespmem:$0x4ED0] =	vst v1  }
0x23: {  	[tilespmem:$0x4EE0] =	vst v1  }
0x24: {  	[tilespmem:$0x4EF0] =	vst v1  }
0x25: {  	[tilespmem:$0x4F00] =	vst v1  }
0x26: {  	[tilespmem:$0x4F10] =	vst v1  }
0x27: {  	[tilespmem:$0x4F20] =	vst v1  }
0x28: {  	[tilespmem:$0x4F30] =	vst v1  }
0x29: {  	[tilespmem:$0x4F40] =	vst v1  }
0x2a: {  	[tilespmem:$0x4F50] =	vst v1  }
0x2b: {  	[tilespmem:$0x4F60] =	vst v1  }
0x2c: {  	[tilespmem:$0x4F70] =	vst v1  }
0x2d: {  	[tilespmem:$0x4F80] =	vst v1  }
0x2e: {  	[tilespmem:$0x4F90] =	vst v1  }
0x2f: {  	[tilespmem:$0x4FA0] =	vst v1  }
0x30: {  	[tilespmem:$0x4FB0] =	vst v1  }
0x31: {  	[tilespmem:$0x4FC0] =	vst v1  }
0x32: {  	[tilespmem:$0x4FD0] =	vst v1  }
0x33: {  	[tilespmem:$0x4FE0] =	vst v1  }
0x34: {  	v0 =	vimm.f32 $0.0e+00;
	[tilespmem:$0x4FF0] =	vst v1  }
0x35: {  	[tilespmem:$0x1D800] =	vst v0  }
0x36: {  	[tilespmem:$0x1D880] =	vst v0  }
0x37: {  	[tilespmem:$0x1D900] =	vst v0  }
0x38: {  	[tilespmem:$0x1D980] =	vst v0  }
0x39: {  	[tilespmem:$0x1DA00] =	vst v0  }
0x3a: {  	v2 =	vimm.s32 $0x0;
	[tilespmem:$0x1DA80] =	vst v0  }
0x3b: {  	[tilespmem:$0x1DB00] =	vst v2  }
0x3c: {  	[tilespmem:$0x1D810] =	vst v0  }
0x3d: {  	[tilespmem:$0x1D890] =	vst v0  }
0x3e: {  	[tilespmem:$0x1D910] =	vst v0  }
0x3f: {  	[tilespmem:$0x1D990] =	vst v0  }
0x40: {  	[tilespmem:$0x1DA10] =	vst v0  }
0x41: {  	[tilespmem:$0x1DA90] =	vst v0  }
0x42: {  	[tilespmem:$0x1DB10] =	vst v2  }
0x43: {  	[tilespmem:$0x1D820] =	vst v0  }
0x44: {  	[tilespmem:$0x1D8A0] =	vst v0  }
0x45: {  	[tilespmem:$0x1D920] =	vst v0  }
0x46: {  	[tilespmem:$0x1D9A0] =	vst v0  }
0x47: {  	[tilespmem:$0x1DA20] =	vst v0  }
0x48: {  	[tilespmem:$0x1DAA0] =	vst v0  }
0x49: {  	[tilespmem:$0x1DB20] =	vst v2  }
0x4a: {  	[tilespmem:$0x1D830] =	vst v0  }
0x4b: {  	[tilespmem:$0x1D8B0] =	vst v0  }
0x4c: {  	[tilespmem:$0x1D930] =	vst v0  }
0x4d: {  	[tilespmem:$0x1D9B0] =	vst v0  }
0x4e: {  	[tilespmem:$0x1DA30] =	vst v0  }
0x4f: {  	[tilespmem:$0x1DAB0] =	vst v0  }
0x50: {  	[tilespmem:$0x1DB30] =	vst v2  }
0x51: {  	[tilespmem:$0x1D840] =	vst v0  }
0x52: {  	[tilespmem:$0x1D8C0] =	vst v0  }
0x53: {  	[tilespmem:$0x1D940] =	vst v0  }
0x54: {  	[tilespmem:$0x1D9C0] =	vst v0  }
0x55: {  	[tilespmem:$0x1DA40] =	vst v0  }
0x56: {  	[tilespmem:$0x1DAC0] =	vst v0  }
0x57: {  	[tilespmem:$0x1DB40] =	vst v2  }
0x58: {  	[tilespmem:$0x1D850] =	vst v0  }
0x59: {  	[tilespmem:$0x1D8D0] =	vst v0  }
0x5a: {  	[tilespmem:$0x1D950] =	vst v0  }
0x5b: {  	[tilespmem:$0x1D9D0] =	vst v0  }
0x5c: {  	[tilespmem:$0x1DA50] =	vst v0  }
0x5d: {  	[tilespmem:$0x1DAD0] =	vst v0  }
0x5e: {  	[tilespmem:$0x1DB50] =	vst v2  }
0x5f: {  	[tilespmem:$0x1D860] =	vst v0  }
0x60: {  	[tilespmem:$0x1D8E0] =	vst v0  }
0x61: {  	[tilespmem:$0x1D960] =	vst v0  }
0x62: {  	[tilespmem:$0x1D9E0] =	vst v0  }
0x63: {  	[tilespmem:$0x1DA60] =	vst v0  }
0x64: {  	[tilespmem:$0x1DAE0] =	vst v0  }
0x65: {  	[tilespmem:$0x1DB60] =	vst v2  }
0x66: {  	[tilespmem:$0x1D870] =	vst v0  }
0x67: {  	[tilespmem:$0x1D8F0] =	vst v0  }
0x68: {  	[tilespmem:$0x1D970] =	vst v0  }
0x69: {  	[tilespmem:$0x1D9F0] =	vst v0  }
0x6a: {  	[tilespmem:$0x1DA70] =	vst v0  }
0x6b: {  	[tilespmem:$0x1DAF0] =	vst v0  }
0x6c: {  	s14 =	simm.s32 $0xF0;
	[tilespmem:$0x1DB70] =	vst v2;
	v0 =	vlaneseq.u32  }
0x6d: {  	s15 =	simm.s32 $0xC0;
	[tilespmem:$0x1D7E0] =	vst v1;
	v2 =	vor.u32 s14, v0  }
0x6e: {  	s16 =	simm.s32 $0x1;
	s17 =	simm.s32 $0xD0;
	[tilespmem:$0x1D7F0] =	vst v1;
	v1 =	vor.u32 s15, v0  }
0x6f: {  	s18 =	simm.s32 $0xE0;
	_ =	swait.ge [sflag:s16], $0x4E20;
	v3 =	vor.u32 s17, v0  }
0x70: {  	s19 =	simm.s32 $0x10;
	v4 =	vor.u32 s18, v0;
	[sflag:s16] =	ssyncset.done $0x0  }
0x71: {  	s20 =	simm.s32 $0x20;
	v5 =	vor.u32 s19, v0;
	[sflag:s16] =	ssyncadd.s32 $0xFFFFB1E0  }
0x72: {  	s21 =	simm.s32 $0x30;
	v6 =	vor.u32 s20, v0;
	v2 =	vld.idx.msk [tilespmem:v2+s8+$0x0], $0xffff  }
0x73: {  	s22 =	simm.s32 $0x0;
	v7 =	vor.u32 s21, v0;
	v1 =	vld.idx.msk [tilespmem:v1+s8+$0x0], $0xffff  }
0x74: {  	s23 =	simm.s32 $0x40;
	v8 =	vor.u32 s22, v0;
	v3 =	vld.idx.msk [tilespmem:v3+s8+$0x0], $0xffff  }
0x75: {  	s24 =	simm.s32 $0x50;
	v9 =	vor.u32 s23, v0;
	v4 =	vld.idx.msk [tilespmem:v4+s8+$0x0], $0xffff  }
0x76: {  	s25 =	simm.s32 $0x60;
	v10 =	vor.u32 s24, v0;
	v5 =	vld.idx.msk [tilespmem:v5+s8+$0x0], $0xffff  }
0x77: {  	s26 =	simm.s32 $0x70;
	v11 =	vor.u32 s25, v0;
	v6 =	vld.idx.msk [tilespmem:v6+s8+$0x0], $0xffff  }
0x78: {  	s28 =	simm.s32 $0x80;
	v12 =	vor.u32 s26, v0;
	v7 =	vld.idx.msk [tilespmem:v7+s8+$0x0], $0xffff  }
0x79: {  	s29 =	simm.s32 $0x90;
	v13 =	vor.u32 s28, v0;
	v8 =	vld.idx.msk [tilespmem:v8+s8+$0x0], $0xffff  }
0x7a: {  	s30 =	simm.s32 $0xA0;
	v14 =	vor.u32 s29, v0;
	v9 =	vld.idx.msk [tilespmem:v9+s8+$0x0], $0xffff  }
0x7b: {  	s31 =	simm.s32 $0xB0;
	v15 =	vor.u32 s30, v0;
	v10 =	vld.idx.msk [tilespmem:v10+s8+$0x0], $0xffff  }
0x7c: {  	s5 =	simm.s32 $0x1F0;
	v16 =	vor.u32 s31, v0;
	v11 =	vld.idx.msk [tilespmem:v11+s8+$0x0], $0xffff  }
0x7d: {  	s6 =	simm.s32 $0x1C0;
	v17 =	vor.u32 s5, v0;
	v12 =	vld.idx.msk [tilespmem:v12+s8+$0x0], $0xffff  }
0x7e: {  	s7 =	simm.s32 $0x1D0;
	v18 =	vor.u32 s6, v0;
	v13 =	vld.idx.msk [tilespmem:v13+s8+$0x0], $0xffff  }
0x7f: {  	v19 =	vor.u32 s7, v0;
	s14 =	simm.s32 $0x150;
	v14 =	vld.idx.msk [tilespmem:v14+s8+$0x0], $0xffff  }
0x80: {  	s9 =	simm.s32 $0x1E0;
	v22 =	vor.u32 s14, v0;
	v15 =	vld.idx.msk [tilespmem:v15+s8+$0x0], $0xffff  }
0x81: {  	s10 =	simm.s32 $0x110;
	v16 =	vld.idx.msk [tilespmem:v16+s8+$0x0], $0xffff;
	v1 =	vmax.f32 v1, v3;
	v2 =	vmax.f32 v4, v2;
	v3 =	vor.u32 s9, v0  }
0x82: {  	s11 =	simm.s32 $0x120;
	s12 =	simm.s32 $0x130;
	v17 =	vld.idx.msk [tilespmem:v17+s8+$0x0], $0xffff;
	v1 =	vmax.f32 v1, v2;
	v2 =	vor.u32 s10, v0  }
0x83: {  	s13 =	simm.s32 $0x140;
	v20 =	vor.u32 s12, v0;
	s15 =	simm.s32 $0x160;
	v18 =	vld.idx.msk [tilespmem:v18+s8+$0x0], $0xffff;
	(xrf0) =	vmax.scan.msk.f32 $0xffff, v1;
	v1 =	vor.u32 s11, v0  }
0x84: {  	v21 =	vor.u32 s13, v0;
	s17 =	simm.s32 $0x100;
	v23 =	vor.u32 s15, v0;
	v19 =	vld.idx.msk [tilespmem:v19+s8+$0x0], $0xffff;
	v4 =	vmax.f32 v8, v5  }
0x85: {  	s18 =	simm.s32 $0x170;
	s19 =	simm.s32 $0x180;
	v5 =	vmax.f32 v6, v7;
	v8 =	vor.u32 s17, v0;
	v6 =	vmax.f32 v11, v12;
	v12 =	vld.idx.msk [tilespmem:v22+s8+$0x0], $0xffff  }
0x86: {  	s20 =	smul.u32 $0x280, s1;
	s21 =	simm.s32 $0x190;
	v25 =	vor.u32 s18, v0;
	v26 =	vor.u32 s19, v0;
	s16 =	simm.s32 $0x3;
	v4 =	vmax.f32 v4, v5;
	v27 =	vld.idx.msk [tilespmem:v3+s8+$0x0], $0xffff  }
0x87: {  	s22 =	smul.u32 $0x50, s1;
	v28 =	vor.u32 s21, v0;
	v24 =	vmov s16;
	v5 =	vmax.f32 v9, v10;
	(xrf0) =	vmax.scan.msk.f32 $0xffff, v4;
	v3 =	vld.idx.msk [tilespmem:v2+s8+$0x0], $0xffff  }
0x88: {  	s23 =	sadd.s32 $0xF800, s3;
	s24 =	simm.s32 $0x1A0;
	s26 =	simm.s32 $0x1B0;
	v2 =	vmax.f32 v5, v6;
	v6 =	vmax.f32 v13, v14;
	v4 =	vld.idx.msk [tilespmem:v1+s8+$0x0], $0xffff;
	v1 =	vmax.f32 v15, v16  }
0x89: {  	s28 =	simm.s32 $0x1;
	s12 =	simm.s32 $0x2F0;
	s29 =	simm.s32 $0x230;
	v7 =	vor.u32 s24, v0;
	v10 =	vld.idx.msk [tilespmem:v23+s8+$0x0], $0xffff;
	(xrf0) =	vmax.scan.msk.f32 $0xffff, v2;
	v2 =	vmov s8;
	v1 =	vmax.f32 v6, v1  }
0x8a: {  	s13 =	simm.s32 $0x210;
	s30 =	simm.s32 $0x240;
	s31 =	simm.s32 $0x2D0;
	v22 =	vor.u32 s29, v0;
	v23 =	vor.u32 s12, v0;
	v11 =	vld.idx.msk [tilespmem:v8+s8+$0x0], $0xffff;
	v9, _, _ =	vpop (xrf0);
	v2 =	vand.u32 $0xFFFFFFFC, v2;
	(xrf0) =	vmax.scan.msk.f32 $0xffff, v1  }
0x8b: {  	s14 =	simm.s32 $0x220;
	s15 =	simm.s32 $0x2C0;
	s4 =	sshrl.u32 s20, $0x3;
	v8 =	vld.idx.msk [tilespmem:v21+s8+$0x0], $0xffff;
	v21 =	vor.u32 s13, v0;
	v13 =	vbroadcast v9, $0xF;
	v9 =	vbroadcast v2, $0x0  }
0x8c: {  	s3 =	sadd.s32 s23, s22;
	s25 =	sadd.s32 s23, s4;
	s10 =	simm.s32 $0x2;
	v14 =	vmax.f32 v18, v19;
	v6 =	vor.u32 s26, v0;
	v15 =	vmax.f32 v27, v17  }
0x8d: {  	s5 =	sadd.s32 $0x10, s25;
	s7 =	sadd.s32 $0x20, s25;
	s4 =	sadd.s32 $0x30, s25;
	v5 =	vld.idx.msk [tilespmem:v20+s8+$0x0], $0xffff;
	v1 =	vmov s28;
	v2 =	vmov s10;
	v15 =	vmax.f32 v14, v15  }
0x8e: {  	s6 =	sadd.s32 $0x40, s25;
	s9 =	simm.s32 $0x1D6A0;
	s11 =	sshll.u32 s1, $0x4;
	v19 =	vor.u32 s14, v0;
	v20 =	vld.idx.msk [tilespmem:v28+s8+$0x0], $0xffff;
	v16, _, _ =	vpop (xrf0);
	v1 =	vand.u32 $0xFFFFFFFD, v1;
	v2 =	vand.u32 $0xFFFFFFFE, v2;
	(xrf0) =	vmax.scan.msk.f32 $0xffff, v15  }
0x8f: {  	s2 =	sadd.s32 s2, s11;
	s11 =	simm.s32 $0x4;
	s13 =	simm.s32 $0xC;
	v18 =	vbroadcast v16, $0xF;
	v16 =	vld.idx.msk [tilespmem:v26+s8+$0x0], $0xffff;
	v1 =	vbroadcast v1, $0x0;
	[tilespmem:v24+s9+$0x0] =	vst.idx.msk $0x1, v13;
	v24 =	vor.u32 s15, v0;
	v13, _, _ =	vpop (xrf0)  }
0x90: {  	s14 =	simm.s32 $0x250;
	s10 =	simm.s32 $0x8;
	v14 =	vld.idx.msk [tilespmem:v25+s8+$0x0], $0xffff;
	v2 =	vbroadcast v2, $0x0;
	v25 =	vor.u32 s31, v0;
	s15 =	simm.s32 $0x2E0;
	v15 =	vor.u32 s30, v0;
	v17, _, _ =	vpop (xrf0)  }
.LBB2_2:
0x91: {  	p0 =	slt.u32 s13, $0x13C;
	v26 =	vor.u32 s14, v0;
	s14 =	sadd.s32 $0xFFFFFF70, s12;
	v27 =	vor.u32 s15, v0;
	v3 =	vmax.f32 v11, v3;
	v11 =	vld.idx.msk [tilespmem:v7+s8+$0x0], $0xffff;
	s15 =	sadd.s32 $0x3, s11;
	[tilespmem:v9+s9+$0x0] =	vst.idx.msk $0x1, v18  }
0x92: {  	s16 =	sadd.s32 $0xFFFFFF90, s12;
	v4 =	vmax.f32 v4, v5;
	v18 =	vor.u32 s14, v0;
	s14 =	sadd.s32 $0xFFFFFF80, s12;
	v5 =	vld.idx.msk [tilespmem:v6+s8+$0x0], $0xffff;
	s8 =	simm.s32 $0x0;
	v9 =	vmov s15  }
0x93: {  	v8 =	vmax.f32 v8, v12;
	v29 =	vor.u32 s16, v0;
	s15 =	sadd.s32 $0xFFFFFFB0, s12;
	s16 =	sadd.s32 $0xFFFFFFC0, s12;
	v28 =	vor.u32 s14, v0;
	s14 =	sadd.s32 $0xFFFFFFA0, s12;
	v23 =	vld.idx.msk [tilespmem:v23+s8+$0x0], $0xffff  }
0x94: {  	s17 =	sadd.s32 $0xFFFFFF10, s12;
	v7 =	vor.u32 s15, v0;
	v6 =	vor.u32 s16, v0;
	v30 =	vor.u32 s14, v0;
	v24 =	vld.idx.msk [tilespmem:v24+s8+$0x0], $0xffff;
	v12, _, _ =	vpop (xrf0)  }
0x95: {  	v31 =	vor.u32 s17, v0;
	v10 =	vmax.f32 v10, v14;
	v25 =	vld.idx.msk [tilespmem:v25+s8+$0x0], $0xffff;
	v12 =	vbroadcast v12, $0xF  }
0x96: {  	v4 =	vmax.f32 v3, v4;
	v8 =	vmax.f32 v8, v10;
	v10 =	vmax.f32 v16, v20;
	v14 =	vld.idx.msk [tilespmem:v27+s8+$0x0], $0xffff  }
0x97: {  	v3 =	vld.idx.msk [tilespmem:v21+s8+$0x0], $0xffff;
	[tilespmem:v9+s9+$0x0] =	vst.idx.msk $0x1, v12;
	(xrf0) =	vmax.scan.msk.f32 $0xffff, v4;
	v9 =	vbroadcast v13, $0xF;
	v12 =	vbroadcast v17, $0xF  }
0x98: {  	v11 =	vmax.f32 v11, v5;
	v4 =	vld.idx.msk [tilespmem:v19+s8+$0x0], $0xffff;
	(xrf0) =	vmax.scan.msk.f32 $0xffff, v8  }
0x99: {  	v8 =	vmov s11;
	v10 =	vmax.f32 v10, v11;
	v5 =	vld.idx.msk [tilespmem:v22+s8+$0x0], $0xffff;
	[tilespmem:v1+s9+$0x0] =	vst.idx.msk $0x1, v9  }
0x9a: {  	s15 =	sadd.s32 $0x2, s11;
	s14 =	sadd.s32 $0x1, s11;
	s11 =	smov.u32 s10;
	v1 =	vand.u32 $0xFFFFFFFC, v8;
	v11 =	vld.idx.msk [tilespmem:v31+s8+$0x0], $0xffff;
	(xrf0) =	vmax.scan.msk.f32 $0xffff, v10;
	[tilespmem:v2+s9+$0x0] =	vst.idx.msk $0x1, v12  }
0x9b: {  	s10 =	smov.u32 s13;
	v9 =	vbroadcast v1, $0x0;
	v1 =	vmov s14;
	v2 =	vmov s15;
	v8 =	vld.idx.msk [tilespmem:v15+s8+$0x0], $0xffff  }
.Ltmp1:
0x9c: {  	v17 =	vmax.f32 v24, v25;
	v14 =	vmax.f32 v14, v23;
	v1 =	vand.u32 $0xFFFFFFFD, v1;
	v12 =	vld.idx.msk [tilespmem:v26+s8+$0x0], $0xffff;
	(pc) =	sbr.rel @p0 .LBB2_2-.Ltmp1, $4  }
0x9d: {  	s12 =	sadd.s32 $0x100, s12;
	v2 =	vand.u32 $0xFFFFFFFE, v2;
	v16 =	vmax.f32 v17, v14;
	v1 =	vbroadcast v1, $0x0;
	v10 =	vld.idx.msk [tilespmem:v18+s8+$0x0], $0xffff;
	v15, _, _ =	vpop (xrf0)  }
0x9e: {  	s16 =	sadd.s32 $0xFFFFFFD0, s12;
	s14 =	sadd.s32 $0xFFFFFF20, s12;
	s15 =	sadd.s32 $0xFFFFFF30, s12;
	v23 =	vor.u32 s12, v0;
	v2 =	vbroadcast v2, $0x0;
	v14 =	vld.idx.msk [tilespmem:v28+s8+$0x0], $0xffff;
	(xrf0) =	vmax.scan.msk.f32 $0xffff, v16;
	v18 =	vbroadcast v15, $0xF;
	v13, _, _ =	vpop (xrf0)  }
0x9f: {  	v24 =	vor.u32 s16, v0;
	s16 =	sadd.s32 $0xFFFFFFE0, s12;
	v21 =	vor.u32 s14, v0;
	v19 =	vor.u32 s15, v0;
	s14 =	sadd.s32 $0xFFFFFF40, s12;
	s15 =	sadd.s32 $0xFFFFFF50, s12;
	v16 =	vld.idx.msk [tilespmem:v29+s8+$0x0], $0xffff  }
0xa0: {  	s13 =	sadd.s32 $0x4, s13;
	v25 =	vor.u32 s16, v0;
	v22 =	vor.u32 s14, v0;
	s14 =	sadd.s32 $0xFFFFFF60, s12;
	v15 =	vor.u32 s15, v0;
	s15 =	sadd.s32 $0xFFFFFFF0, s12;
	v20 =	vld.idx.msk [tilespmem:v30+s8+$0x0], $0xffff;
	v17, _, _ =	vpop (xrf0)  }
0xa1: {  	_ =	sdelay $0x3  }
0xa2: {  	v7 =	vld.idx.msk [tilespmem:v7+s8+$0x0], $0xffff  }
0xa3: {  	v6 =	vld.idx.msk [tilespmem:v6+s8+$0x0], $0xffff  }
0xa4: {  	v23 =	vld.idx.msk [tilespmem:v23+s8+$0x0], $0xffff  }
0xa5: {  	v24 =	vld.idx.msk [tilespmem:v24+s8+$0x0], $0xffff  }
0xa6: {  	v26 =	vor.u32 s15, v0;
	v25 =	vld.idx.msk [tilespmem:v25+s8+$0x0], $0xffff  }
0xa7: {  	s13 =	sadd.s32 $0xFFFFFF10, s12;
	v28 =	vor.u32 s14, v0;
	v21 =	vld.idx.msk [tilespmem:v21+s8+$0x0], $0xffff  }
0xa8: {  	s17 =	sadd.s32 $0xFFFFFF70, s12;
	v19 =	vld.idx.msk [tilespmem:v19+s8+$0x0], $0xffff;
	v27 =	vor.u32 s13, v0  }
0xa9: {  	s18 =	sadd.s32 $0xFFFFFF80, s12;
	v22 =	vld.idx.msk [tilespmem:v22+s8+$0x0], $0xffff;
	v29 =	vor.u32 s17, v0  }
0xaa: {  	s19 =	sadd.s32 $0xFFFFFF90, s12;
	v15 =	vld.idx.msk [tilespmem:v15+s8+$0x0], $0xffff;
	v30 =	vor.u32 s18, v0  }
0xab: {  	s21 =	sadd.s32 $0xFFFFFFB0, s12;
	v31 =	vor.u32 s19, v0;
	v26 =	vld.idx.msk [tilespmem:v26+s8+$0x0], $0xffff  }
0xac: {  	s20 =	sadd.s32 $0xFFFFFFA0, s12;
	v4 =	vmax.f32 v4, v5;
	s22 =	sadd.s32 $0xFFFFFFC0, s12;
	v5 =	vor.u32 s21, v0;
	v43 =	vld.idx.msk [tilespmem:v28+s8+$0x0], $0xffff  }
0xad: {  	v3 =	vmax.f32 v11, v3;
	v32 =	vor.u32 s20, v0;
	v0 =	vor.u32 s22, v0;
	v27 =	vld.idx.msk [tilespmem:v27+s8+$0x0], $0xffff  }
0xae: {  	v8 =	vmax.f32 v8, v12;
	v3 =	vmax.f32 v3, v4;
	v10 =	vmax.f32 v10, v14;
	v4 =	vld.idx.msk [tilespmem:v29+s8+$0x0], $0xffff  }
0xaf: {  	v13 =	vbroadcast v13, $0xF;
	(xrf0) =	vmax.scan.msk.f32 $0xffff, v3;
	v8 =	vmax.f32 v8, v10;
	v3 =	vld.idx.msk [tilespmem:v30+s8+$0x0], $0xffff  }
0xb0: {  	v48 =	vmov s11;
	v46 =	vmax.f32 v16, v20;
	(xrf0) =	vmax.scan.msk.f32 $0xffff, v8;
	v6 =	vmax.f32 v7, v6;
	v47 =	vld.idx.msk [tilespmem:v31+s8+$0x0], $0xffff  }
0xb1: {  	s23 =	sadd.s32 $0x3, s11;
	v52 =	vmax.f32 v24, v25;
	v6 =	vmax.f32 v46, v6;
	v5 =	vld.idx.msk [tilespmem:v5+s8+$0x0], $0xffff;
	v53 =	vmax.f32 v26, v23  }
0xb2: {  	v50 =	vbroadcast v17, $0xF;
	s24 =	sadd.s32 $0x1, s11;
	v44 =	vmov s23;
	v0 =	vld.idx.msk [tilespmem:v0+s8+$0x0], $0xffff;
	(xrf0) =	vmax.scan.msk.f32 $0xffff, v6;
	v10 =	vmax.f32 v52, v53  }
0xb3: {  	s25 =	sadd.s32 $0x2, s11;
	v51 =	vmov s24;
	v45, _, _ =	vpop (xrf0);
	v58 =	vmax.f32 v19, v22;
	v49 =	vld.idx.msk [tilespmem:v32+s8+$0x0], $0xffff;
	v57 =	vmax.f32 v27, v21;
	(xrf0) =	vmax.scan.msk.f32 $0xffff, v10  }
0xb4: {  	v54 =	vmov s25;
	v3 =	vmax.f32 v4, v3;
	v4 =	vmax.f32 v57, v58  }
0xb5: {  	v14 =	vbroadcast v45, $0xF;
	v8 =	vand.u32 $0xFFFFFFFD, v51;
	v7 =	vand.u32 $0xFFFFFFFC, v48  }
0xb6: {  	[tilespmem:v9+s9+$0x0] =	vst.idx.msk $0x1, v18;
	s26 =	sadd.s32 $0x3, s10;
	v8 =	vbroadcast v8, $0x0;
	v7 =	vbroadcast v7, $0x0;
	v6 =	vand.u32 $0xFFFFFFFE, v54;
	v55, _, _ =	vpop (xrf0)  }
0xb7: {  	v11 =	vmax.f32 v15, v43;
	v0 =	vmax.f32 v5, v0;
	v5 =	vmov s26;
	(xrf0) =	vmax.scan.msk.f32 $0xffff, v4;
	v4, _, _ =	vpop (xrf0)  }
0xb8: {  	[tilespmem:v2+s9+$0x0] =	vst.idx.msk $0x1, v50;
	v6 =	vbroadcast v6, $0x0;
	v59 =	vmax.f32 v47, v49;
	v3 =	vmax.f32 v11, v3;
	v60, _, _ =	vpop (xrf0)  }
0xb9: {  	s28 =	sadd.s32 $0x1, s10;
	v56 =	vbroadcast v55, $0xF;
	v0 =	vmax.f32 v59, v0;
	(xrf0) =	vmax.scan.msk.f32 $0xffff, v3;
	v3 =	vmov s10;
	v61, _, _ =	vpop (xrf0)  }
0xba: {  	s29 =	sadd.s32 $0x2, s10;
	v3 =	vand.u32 $0xFFFFFFFC, v3;
	(xrf0) =	vmax.scan.msk.f32 $0xffff, v0;
	v0 =	vmov s28;
	v2 =	vbroadcast v61, $0xF  }
0xbb: {  	[tilespmem:v1+s9+$0x0] =	vst.idx.msk $0x1, v13;
	v1 =	vbroadcast v3, $0x0;
	v3 =	vmov s29;
	v0 =	vand.u32 $0xFFFFFFFD, v0  }
0xbc: {  	v62 =	vbroadcast v0, $0x0;
	v0 =	vand.u32 $0xFFFFFFFE, v3;
	[tilespmem:v5+s9+$0x0] =	vst.idx.msk $0x1, v2;
	v2 =	vbroadcast v60, $0xF  }
0xbd: {  	[tilespmem:v44+s9+$0x0] =	vst.idx.msk $0x1, v14;
	v3 =	vbroadcast v4, $0xF;
	v4 =	vbroadcast v0, $0x0  }
0xbe: {  	s30 =	simm.s32 $0x10;
	[tilespmem:v7+s9+$0x0] =	vst.idx.msk $0x1, v56;
	v0 =	vlaneseq.u32;
	v5, _, _ =	vpop (xrf0)  }
0xbf: {  	p2 =	por $0x1, $0x1;
	[tilespmem:v8+s9+$0x0] =	vst.idx.msk $0x1, v3;
	v63 =	vor.u32 s30, v0;
	v3 =	vbroadcast v5, $0xF;
	v5, _, _ =	vpop (xrf0)  }
.Ltmp2:
0xc0: {  	[tilespmem:v6+s9+$0x0] =	vst.idx.msk $0x1, v2;
	v5 =	vbroadcast v5, $0xF;
	v2, _, _ =	vpop (xrf0);
	(pc) =	sbr.rel @!p2 .LBB2_4-.Ltmp2, $4  }
0xc1: {  	[tilespmem:v1+s9+$0x0] =	vst.idx.msk $0x1, v3;
	v1 =	vbroadcast v2, $0xF  }
0xc2: {  	s11 =	simm.s32 $0x1D6A0;
	[tilespmem:v62+s9+$0x0] =	vst.idx.msk $0x1, v5  }
0xc3: {  	s31 =	simm.s32 $0x0;
	s12 =	simm.s32 $0x30;
	p0 =	por $0x0, $0x0;
	[tilespmem:v4+s9+$0x0] =	vst.idx.msk $0x1, v1  }
0xc4: {  	p1 =	por $0x0, $0x0;
	s10 =	simm.s32 $0x1D7E0;
	s9 =	simm.s32 $0x2;
	v1 =	vor.u32 s31, v0;
	v3 =	vld.idx.msk [tilespmem:v63+s11+$0x0], $0xffff  }
0xc5: {  	v2 =	vor.u32 s12, v0;
	p2 =	por $0x1, $0x1  }
.Ltmp3:
0xc6: {  	_ = 	snop;
	(pc) =	sbr.rel @!p2 .LBB2_6-.Ltmp3, $3  }
0xc7: {  	_ =	sdelay $0x1  }
0xc8: {  	s13 =	simm.s32 $0x20;
	v7 =	vld.idx.msk [tilespmem:v1+s11+$0x0], $0xffff  }
0xc9: {  	s12 =	simm.s32 $0x4;
	p0 =	por $0x1, $0x1;
	v1 =	vor.u32 s13, v0;
	s13 =	simm.s32 $0x50;
	(xrf0) =	vmax.scan.msk.f32 $0xffff, v3;
	v8 =	vld.idx.msk [tilespmem:v2+s11+$0x0], $0xffff  }
0xca: {  	_ =	sdelay $0x1  }
0xcb: {  	v3 =	vor.u32 s13, v0;
	p2 =	por $0x1, $0x1  }
.Ltmp4:
0xcc: {  	s31 =	simm.s32 $0x40;
	(xrf0) =	vmax.scan.msk.f32 $0xffff, v7;
	(pc) =	sbr.rel @!p2 .LBB2_8-.Ltmp4, $4  }
0xcd: {  	v2 =	vmov s8;
	v5 =	vld.idx.msk [tilespmem:v1+s11+$0x0], $0xffff;
	v1 =	vor.u32 s31, v0  }
0xce: {  	s14 =	simm.s32 $0x1;
	v2 =	vand.u32 $0xFFFFFFFE, v2  }
0xcf: {  	v4 =	vmov s14;
	v2 =	vbroadcast v2, $0x0  }
0xd0: {  	s8 =	simm.s32 $0x6;
	s13 =	simm.s32 $0x70;
	p1 =	por $0x1, $0x1;
	(xrf0) =	vmax.scan.msk.f32 $0xffff, v8;
	v3 =	vld.idx.msk [tilespmem:v3+s11+$0x0], $0xffff;
	v6, _, _ =	vpop (xrf0)  }
.LBB2_9:
0xd1: {  	s14 =	sadd.s32 $0xFFFFFFF0, s13  }
0xd2: {  	v7 =	vor.u32 s13, v0;
	p2 =	slt.u32 s8, $0x12;
	(xrf0) =	vmax.scan.msk.f32 $0xffff, v5;
	v5 =	vld.idx.msk [tilespmem:v1+s11+$0x0], $0xffff;
	v6 =	vbroadcast v6, $0xF;
	v8, _, _ =	vpop (xrf0);
	s15 =	smov.u32 s8;
	s8 =	sadd.s32 $0x2, s8  }
.Ltmp5:
0xd3: {  	v9 =	vmov s9;
	v1 =	vor.u32 s14, v0;
	v8 =	vbroadcast v8, $0xF;
	(pc) =	sbr.rel @p2 .LBB2_9-.Ltmp5, $3  }
0xd4: {  	v9 =	vand.u32 $0xFFFFFFFE, v9;
	s14 =	sadd.s32 $0x1, s9;
	s9 =	smov.u32 s12;
	s12 =	smov.u32 s15;
	[tilespmem:v4+s10+$0x0] =	vst.idx.msk $0x1, v6  }
0xd5: {  	v4 =	vmov s14;
	[tilespmem:v2+s10+$0x0] =	vst.idx.msk $0x1, v8;
	v2 =	vbroadcast v9, $0x0;
	_ =	sdelay $0x1  }
0xd6: {  	s13 =	sadd.s32 $0x20, s13;
	(xrf0) =	vmax.scan.msk.f32 $0xffff, v3;
	v3 =	vld.idx.msk [tilespmem:v7+s11+$0x0], $0xffff;
	v6, _, _ =	vpop (xrf0)  }
0xd7: {  	v7 =	vmov v5;
	s8 =	smov.u32 s12  }
.LBB2_11:
0xd8: {  	_ =	sdelay $0x3  }
0xd9: {  	v0 =	vld.idx.msk [tilespmem:v1+s11+$0x0], $0xffff;
	_ =	sdelay $0x2  }
0xda: {  	(xrf0) =	vmax.scan.msk.f32 @p0 $0xffff, v7  }
0xdb: {  	v1 =	vmov @p0 s9;
	s9 =	sadd.s32 @p0 $0x1, s9;
	(xrf0) =	vmax.scan.msk.f32 $0xffff, v3  }
0xdc: {  	v5 =	vbroadcast @p1 v6, $0xF;
	v1 =	vand.u32 @p0 $0xFFFFFFFE, v1;
	v3 =	vmov @p0 s9;
	(xrf0) =	vmax.scan.msk.f32 $0xffff, v0;
	v0, _, _ =	vpop @p1 (xrf0)  }
0xdd: {  	v1 =	vbroadcast @p0 v1, $0x0;
	v3 =	vpsel p0, v3, v0;
	v0 =	vbroadcast @p1 v0, $0xF  }
0xde: {  	v63 =	vmov s8  }
0xdf: {  	s25 =	sadd.s32 $0x1, s8;
	v6 =	vand.u32 $0xFFFFFFFE, v63;
	v7, _, _ =	vpop @p0 (xrf0);
	v1 =	vpsel p0, v1, v0  }
0xe0: {  	v8 =	vmov s25;
	v6 =	vbroadcast v6, $0x0;
	v7 =	vpsel p0, v7, v0  }
0xe1: {  	[tilespmem:v4+s10+$0x0] =	vst.idx.msk @p1 $0x1, v5;
	v5, _, _ =	vpop @p0 (xrf0);
	v4 =	vbroadcast @p0 v7, $0xF  }
0xe2: {  	[tilespmem:v2+s10+$0x0] =	vst.idx.msk @p1 $0x1, v0;
	v0 =	vbroadcast @p0 v5, $0xF;
	v2, _, _ =	vpop (xrf0)  }
0xe3: {  	v2 =	vbroadcast v2, $0xF;
	[tilespmem:v3+s10+$0x0] =	vst.idx.msk @p0 $0x1, v4;
	v3, _, _ =	vpop (xrf0)  }
0xe4: {  	[tilespmem:v1+s10+$0x0] =	vst.idx.msk @p0 $0x1, v0;
	v0 =	vbroadcast v3, $0xF  }
0xe5: {  	[tilespmem:v8+s10+$0x0] =	vst.idx.msk $0x1, v2  }
0xe6: {  	s26 =	simm.s32 $0x2;
	[tilespmem:v6+s10+$0x0] =	vst.idx.msk $0x1, v0  }
0xe7: {  	_ =	swait.ge [sflag:s26], $0x4E20  }
0xe8: {  	[sflag:s26] =	ssyncset.done $0x0  }
0xe9: {  	s28 =	simm.s32 $0x3;
	[sflag:s26] =	ssyncadd.s32 $0xFFFFB1E0  }
0xea: {  	_ =	swait.ge [sflag:s28], $0x4E20  }
0xeb: {  	[sflag:s28] =	ssyncset.done $0x0  }
0xec: {  	s29 =	simm.s32 $0x4;
	[sflag:s28] =	ssyncadd.s32 $0xFFFFB1E0  }
0xed: {  	_ =	swait.ge [sflag:s29], $0x4E20  }
0xee: {  	[sflag:s29] =	ssyncset.done $0x0  }
0xef: {  	s30 =	simm.s32 $0x5;
	[sflag:s29] =	ssyncadd.s32 $0xFFFFB1E0  }
0xf0: {  	_ =	swait.ge [sflag:s30], $0x4E20  }
0xf1: {  	[sflag:s30] =	ssyncset.done $0x0  }
0xf2: {  	s31 =	simm.s32 $0x6;
	[sflag:s30] =	ssyncadd.s32 $0xFFFFB1E0  }
0xf3: {  	_ =	swait.ge [sflag:s31], $0x4E20  }
0xf4: {  	[sflag:s31] =	ssyncset.done $0x0  }
0xf5: {  	[sflag:s31] =	ssyncadd.s32 $0xFFFFB1E0  }
0xf6: {  	v0 =	vld [tilespmem:$0x1D7E0]  }
0xf7: {  	v1 =	vld [tilespmem:$0x1D7F0];
	_ =	sdelay $0x4  }
0xf8: {  	v2 =	vmax.f32 v0, v1  }
0xf9: {  	(xrf0) =	vmax.scan.msk.f32 $0xffff, v2;
	_ =	sdelay $0x5  }
0xfa: {  	v2, _, _ =	vpop (xrf0)  }
0xfb: {  	(v2sf) =	vpush v2, $0xF;
	_ =	sdelay $0xe  }
0xfc: {  	s11 =	spop (v2sf)  }
0xfd: {  	p0 =	sgt.f32 s11, $5.000000070e-02  }
.Ltmp6:
0xfe: {  	_ = 	snop;
	(pc) =	sbr.rel @!p0 .LBB2_14-.Ltmp6, $1  }
0xff: {  	_ =	sdelay $0x3  }
0x100: {  	s8 =	simm.s32 $0x0;
	s9 =	simm.s32 $0x1D6A0;
	s10 =	simm.s32 $0x0  }
0x101: {  	s12 =	simm.s32 $0x5000;
	s13 =	simm.s32 $0x9E20;
	s14 =	simm.s32 $0xEC40  }
0x102: {  	s15 =	simm.s32 $0x13A60;
	s16 =	simm.s32 $0x18880;
	s17 =	simm.s32 $0x1D800  }
0x103: {  	v2 =	vlaneseq.u32;
	s18 =	simm.s32 $0x1D880;
	s19 =	simm.s32 $0x1D900;
	s20 =	simm.s32 $0x1D980;
	v6 =	vimm.f32 $-Inf;
	v7 =	vimm.f32 $0.0e+00  }
0x104: {  	s21 =	simm.s32 $0x1DA00;
	s22 =	simm.s32 $0x1DA80;
	s23 =	simm.s32 $0x1DB00;
	v3 =	vor.u32 $0x10, v2;
	v4 =	vor.u32 $0x20, v2;
	v5 =	vor.u32 $0x30, v2  }
.LBB2_13:
0x105: {  	vm0 =	veq.f32 v0, s11;
	vm1 =	veq.f32 v1, s11  }
0x106: {  	v8 =	vmctz.xlane vm0;
	v9 =	vmctz.xlane vm1;
	_ =	sdelay $0x1  }
0x107: {  	vm0 =	vlt.s32 v8, $0x10;
	v9 =	vadd.s32 $0x10, v9  }
0x108: {  	v17 =	vsel vm0, v8, v9  }
0x109: {  	v8 =	vshll.u32 v17, $0x4  }
0x10a: {  	v47 =	vor.u32 v2, v8;
	_ =	sdelay $0x4  }
0x10b: {  	v14 =	vld.idx.msk [tilespmem:v47+s9+$0x0], $0xffff;
	_ =	sdelay $0x4  }
0x10c: {  	vm9 =	veq.f32 v14, s11  }
0x10d: {  	v20 =	vmctz.xlane vm9;
	_ =	sdelay $0x1  }
0x10e: {  	v8 =	vadd.s32 v20, v8  }
0x10f: {  	v48 =	vshll.u32 v8, $0x6  }
0x110: {  	v10 =	vor.u32 v2, v48  }
0x111: {  	v11 =	vor.u32 v4, v48  }
0x112: {  	v12 =	vor.u32 v5, v48  }
0x113: {  	v13 =	vor.u32 v3, v48;
	_ =	sdelay $0x1  }
0x114: {  	v22 =	vld.idx.msk [tilespmem:v10+s10+$0x0], $0xffff  }
0x115: {  	v19 =	vld.idx.msk [tilespmem:v11+s10+$0x0], $0xffff  }
0x116: {  	v15 =	vld.idx.msk [tilespmem:v12+s10+$0x0], $0xffff  }
0x117: {  	v21 =	vld.idx.msk [tilespmem:v13+s10+$0x0], $0xffff;
	_ =	sdelay $0x3  }
0x118: {  	v16 =	vld [tilespmem:$0x1D800];
	vm10 =	veq.f32 v22, s11;
	vm11 =	veq.f32 v19, s11;
	vm2 =	veq.f32 v15, s11  }
0x119: {  	v23 =	vld [tilespmem:$0x1D880];
	vm3 =	veq.f32 v21, s11;
	v49 =	vmctz.xlane vm11;
	v50 =	vmctz.xlane vm2  }
0x11a: {  	v24 =	vld [tilespmem:$0x1D900];
	v51 =	vmctz.xlane vm10;
	v52 =	vmctz.xlane vm3  }
0x11b: {  	v25 =	vld [tilespmem:$0x1D980];
	vm12 =	vlt.s32 v49, $0x10;
	v10 =	vadd.s32 $0x20, v49;
	v11 =	vadd.s32 $0x30, v50  }
0x11c: {  	v27 =	vld [tilespmem:$0x1D810];
	vm13 =	vlt.s32 v52, $0x10;
	v13 =	vadd.s32 $0x10, v52;
	v10 =	vsel vm12, v10, v11  }
0x11d: {  	v28 =	vld [tilespmem:$0x1D890];
	vm14 =	vlt.s32 v51, $0x10;
	v10 =	vsel vm13, v13, v10  }
0x11e: {  	v29 =	vld [tilespmem:$0x1D910];
	v18 =	vsel vm14, v51, v10  }
0x11f: {  	v30 =	vld [tilespmem:$0x1D990];
	v9 =	vadd.s32 v48, v18  }
0x120: {  	v32 =	vld [tilespmem:$0x1D820]  }
0x121: {  	v34 =	vld [tilespmem:$0x1D8A0]  }
0x122: {  	v36 =	vld [tilespmem:$0x1D920]  }
0x123: {  	v37 =	vld [tilespmem:$0x1D9A0]  }
0x124: {  	v13 =	vld.idx.msk [tilespmem:v9+s12+$0x0], $0xffff  }
0x125: {  	v12 =	vld.idx.msk [tilespmem:v9+s13+$0x0], $0xffff  }
0x126: {  	v11 =	vld.idx.msk [tilespmem:v9+s14+$0x0], $0xffff  }
0x127: {  	v10 =	vld.idx.msk [tilespmem:v9+s15+$0x0], $0xffff  }
0x128: {  	v54 =	vld [tilespmem:$0x1D830]  }
0x129: {  	v57 =	vld [tilespmem:$0x1D930]  }
0x12a: {  	v59 =	vld [tilespmem:$0x1D9B0]  }
0x12b: {  	v38 =	vld [tilespmem:$0x1D840]  }
0x12c: {  	v62 =	vld [tilespmem:$0x1D8C0];
	v33 =	vsub.f32 v11, v13;
	v35 =	vsub.f32 v10, v12;
	v16 =	vmax.f32 v16, v13  }
0x12d: {  	v52 =	vld [tilespmem:$0x1D960];
	v24 =	vmin.f32 v24, v11;
	v23 =	vmax.f32 v23, v12;
	v25 =	vmin.f32 v25, v10  }
0x12e: {  	v42 =	vld [tilespmem:$0x1D9C0];
	v27 =	vmax.f32 v27, v13;
	v29 =	vmin.f32 v29, v11;
	v28 =	vmax.f32 v28, v12  }
0x12f: {  	v39 =	vld [tilespmem:$0x1D8D0];
	v58 =	vmin.f32 v30, v10;
	v60 =	vmax.f32 v32, v13;
	v34 =	vmax.f32 v34, v12  }
0x130: {  	v55 =	vld [tilespmem:$0x1D8B0];
	v36 =	vmin.f32 v36, v11;
	v37 =	vmin.f32 v37, v10;
	v30 =	vmin.f32 v59, v10  }
0x131: {  	v26 =	vld [tilespmem:$0x1DA00];
	v51 =	vmax.f32 v38, v13;
	v24 =	vsub.f32 v24, v16;
	v23 =	vsub.f32 v25, v23  }
0x132: {  	v31 =	vld [tilespmem:$0x1DA10];
	v59 =	vmin.f32 v52, v11;
	v56 =	vsub.f32 v29, v27;
	v28 =	vsub.f32 v58, v28  }
0x133: {  	v46 =	vld [tilespmem:$0x1D950];
	v29 =	vsub.f32 v36, v60;
	v34 =	vsub.f32 v37, v34;
	v27 =	vmin.f32 v57, v11  }
0x134: {  	v48 =	vld [tilespmem:$0x1D9D0];
	v36 =	vmax.f32 v62, v12;
	v37 =	vmin.f32 v42, v10;
	v57 =	vmax.f32 v39, v12  }
0x135: {  	v53 =	vld [tilespmem:$0x1DA20];
	v16 =	vmul.f32 v35, v33;
	v33 =	vmax.f32 v54, v13;
	v35 =	vmax.f32 v55, v12  }
0x136: {  	v61 =	vld [tilespmem:$0x1DA30];
	v36 =	vsub.f32 v37, v36;
	v24 =	vmax.f32 v24, $0.0e+00;
	v23 =	vmax.f32 v23, $0.0e+00  }
0x137: {  	v43 =	vld [tilespmem:$0x1DA40];
	v28 =	vmax.f32 v28, $0.0e+00;
	v29 =	vmax.f32 v29, $0.0e+00;
	v34 =	vmax.f32 v34, $0.0e+00  }
0x138: {  	v63 =	vld [tilespmem:$0x1D940];
	v27 =	vsub.f32 v27, v33;
	v47 =	vsub.f32 v30, v35;
	v33 =	vmin.f32 v46, v11  }
0x139: {  	v50 =	vld [tilespmem:$0x1D860];
	v30 =	vmin.f32 v48, v10;
	v23 =	vmul.f32 v23, v24;
	v26 =	vadd.f32 v26, v16  }
0x13a: {  	v45 =	vld [tilespmem:$0x1D850];
	v24 =	vmax.f32 v56, $0.0e+00;
	v31 =	vadd.f32 v31, v16;
	v29 =	vmul.f32 v34, v29  }
0x13b: {  	v54 =	vld [tilespmem:$0x1D9E0];
	v25 =	vadd.f32 v53, v16;
	v56 =	vmax.f32 v36, $0.0e+00;
	v30 =	vsub.f32 v30, v57  }
0x13c: {  	v58 =	vld [tilespmem:$0x1DA50];
	v60 =	vadd.f32 v61, v16;
	v34 =	vadd.f32 v43, v16;
	v24 =	vmul.f32 v28, v24  }
0x13d: {  	v53 =	vld [tilespmem:$0x1D8E0];
	v49 =	vmax.f32 v27, $0.0e+00;
	v28 =	vmin.f32 v63, v11;
	v26 =	vsub.f32 v26, v23  }
0x13e: {  	v27 =	vmax.f32 v50, v13;
	v25 =	vsub.f32 v25, v29;
	v28 =	vsub.f32 v28, v51  }
0x13f: {  	v27 =	vsub.f32 v59, v27;
	v30 =	vmax.f32 v30, $0.0e+00;
	v44 =	vsub.f32 v31, v24  }
0x140: {  	v31 =	vmax.f32 v45, v13;
	v62 =	vmin.f32 v54, v10;
	(erf) = vrcp.f32 v26  }
0x141: {  	v61 =	vld [tilespmem:$0x1DA60];
	v26 =	vmax.f32 v47, $0.0e+00;
	v55 =	vsub.f32 v33, v31;
	v28 =	vmax.f32 v28, $0.0e+00  }
0x142: {  	v33 =	vadd.f32 v58, v16;
	(erf) = vrcp.f32 v44;
	v35 =	vmax.f32 v53, v12  }
0x143: {  	(erf) = vrcp.f32 v25;
	v25 =	vmul.f32 v26, v49;
	v35 =	vsub.f32 v62, v35  }
0x144: {  	v27 =	vmax.f32 v27, $0.0e+00;
	v28 =	vmul.f32 v56, v28;
	v26 =	vmax.f32 v55, $0.0e+00  }
0x145: {  	v26 =	vmul.f32 v30, v26;
	v63 =	vsub.f32 v60, v25;
	v37 =	vmax.f32 v35, $0.0e+00  }
0x146: {  	v38 =	vadd.f32 v61, v16;
	v36 =	vsub.f32 v34, v28;
	v27 =	vmul.f32 v37, v27  }
0x147: {  	v39 =	vsub.f32 v33, v26;
	(erf) = vrcp.f32 v63  }
0x148: {  	(erf) = vrcp.f32 v36;
	v30 =	vsub.f32 v38, v27  }
0x149: {  	(erf) = vrcp.f32 v39  }
0x14a: {  	(erf) = vrcp.f32 v30  }
0x14b: {  	vm0 =	veq.s32 v17, v2;
	vm1 =	veq.s32 v17, v3;
	vm15 =	veq.s32 v20, v2  }
0x14c: {  	v14 =	vsel vm15, $0xFF800000, v14;
	v41 =	vmax.f32 v22, v21;
	vm6 =	veq.s32 v18, v3  }
0x14d: {  	vm7 =	veq.s32 v18, v2;
	vm8 =	veq.s32 v18, v5;
	v20 =	vsel vm6, v22, v41;
	v40 =	vpop (erf)  }
0x14e: {  	vm13 =	veq.s32 v18, v4;
	v47 =	vmax.f32 v19, v15;
	v44 =	vsel vm7, v21, v20;
	v42 =	vpop (erf)  }
0x14f: {  	v19 =	vsel vm8, v19, v47;
	v46 =	vmul.f32 v40, v23;
	v43 =	vpop (erf);
	v24 =	vmul.f32 v42, v24  }
0x150: {  	v53 =	vmax.f32 v0, v1;
	v54 =	vsel vm13, v15, v19;
	v22 =	vmul.f32 v43, v29;
	v45 =	vpop (erf)  }
0x151: {  	vm9 =	vgt.f32 v46, $5.000000000e-01;
	vm4 =	vgt.f32 v24, $5.000000000e-01;
	v48 =	vpop (erf);
	v20 =	vmul.f32 v45, v25  }
0x152: {  	vm5 =	vgt.f32 v22, $5.000000000e-01;
	vm3 =	vmor vm9, vm4;
	v49 =	vmul.f32 v48, v28;
	v50 =	vpop (erf)  }
0x153: {  	vm3 =	vmor vm3, vm5;
	vm10 =	vgt.f32 v20, $5.000000000e-01;
	v51 =	vmul.f32 v50, v26;
	v52 =	vpop (erf)  }
0x154: {  	vm11 =	vgt.f32 v49, $5.000000000e-01;
	vm3 =	vmor vm3, vm10;
	v21 =	vmul.f32 v52, v27  }
0x155: {  	v22 =	vsel vm1, v0, v53;
	vm12 =	vmor vm3, vm11;
	vm14 =	vgt.f32 v51, $5.000000000e-01  }
0x156: {  	(xrf0) =	vmax.scan.msk.f32 $0xffff, v14;
	v22 =	vsel vm0, v1, v22;
	vm2 =	vmor vm12, vm14;
	vm15 =	vgt.f32 v21, $5.000000000e-01  }
0x157: {  	v14 =	vmax.f32 v44, v54;
	(xrf0) =	vmax.scan.msk.f32 $0xffff, v22;
	vm2 =	vmor vm2, vm15  }
0x158: {  	(xrf0) =	vmax.scan.msk.f32 $0xffff, v14;
	v55 =	vsel vm2, $0x3F800000, v7  }
0x159: {  	(xrf0) =	vmax.scan.msk.f32 $0xffff, v55;
	_ =	sdelay $0x2  }
0x15a: {  	v56, _, _ =	vpop (xrf0)  }
0x15b: {  	(v2sf) =	vpush v56, $0xF;
	v57, _, _ =	vpop (xrf0)  }
0x15c: {  	v58, _, _ =	vpop (xrf0);
	(v2sf) =	vpush v57, $0xF  }
0x15d: {  	(v2sf) =	vpush v58, $0xF;
	v59, _, _ =	vpop (xrf0)  }
0x15e: {  	(v2sf) =	vpush v59, $0xF;
	_ =	sdelay $0xb  }
0x15f: {  	s24 =	spop (v2sf)  }
0x160: {  	s25 =	spop (v2sf)  }
0x161: {  	s26 =	spop (v2sf)  }
0x162: {  	s28 =	spop (v2sf)  }
0x163: {  	p0 =	sgt.f32 s28, $0.0e+00  }
0x164: {  	s28 =	smov.u32 s8  }
0x165: {  	s28 =	simm.s32 @p0 $0x7F  }
0x166: {  	v60 =	vmov s28;
	_ =	sdelay $0x1  }
0x167: {  	p0 =	por !p0, !p0;
	s28 =	simm.s32 $0x1  }
0x168: {  	s28 =	simm.s32 @!p0 $0x0  }
0x169: {  	s24 =	smax.f32 s26, s24;
	s8 =	sadd.s32 s28, s8  }
0x16a: {  	v61 =	vld.idx.msk [tilespmem:v9+s16+$0x0], $0xffff;
	v62 =	vmov s11;
	s11 =	smax.f32 s24, s25;
	p0 =	sgt.u32 s8, $0x63;
	[tilespmem:v60+s17+$0x0] =	vst.idx.msk $0x1, v13  }
0x16b: {  	p1 =	sgt.f32 @!p0 s11, $5.000000070e-02;
	[tilespmem:v60+s18+$0x0] =	vst.idx.msk $0x1, v12  }
0x16c: {  	[tilespmem:v60+s19+$0x0] =	vst.idx.msk $0x1, v11  }
0x16d: {  	p0 =	por p0, !p1;
	[tilespmem:v60+s20+$0x0] =	vst.idx.msk $0x1, v10  }
.Ltmp7:
0x16e: {  	v63 =	vadd.f32 $0.0e+00, v58;
	[tilespmem:v60+s21+$0x0] =	vst.idx.msk $0x1, v16;
	(pc) =	sbr.rel @!p0 .LBB2_13-.Ltmp7, $4  }
0x16f: {  	[tilespmem:v60+s22+$0x0] =	vst.idx.msk $0x1, v62  }
0x170: {  	v10 =	vbroadcast v63, $0xF;
	[tilespmem:v60+s23+$0x0] =	vst.idx.msk $0x1, v61  }
0x171: {  	[tilespmem:v9+s10+$0x0] =	vst.idx.msk $0x1, v6  }
0x172: {  	v0 =	vsel vm0, s24, v0;
	v1 =	vsel vm1, s24, v1;
	[tilespmem:v8+s9+$0x0] =	vst.idx.msk $0x1, v10  }
.LBB2_14:
0x173: {  	s8 =	simm.s32 $0x0;
	s9 =	simm.s32 $0x1D800;
	s25 =	simm.s32 $0x7  }
0x174: {  	[hbm4b:s3+s8] =	stream.linear.scatter [tilespmem:s9], [sflag:$0x7], $0x80, $0x38;
	[tilespmem:$0x1DB80] =	vst v63  }
0x175: {  	_ =	swait.ge [sflag:s25], $0x80  }
0x176: {  	[sflag:s25] =	ssyncset.done $0x0  }
0x177: {  	s26 =	simm.s32 $0x1D880;
	[sflag:s25] =	ssyncadd.s32 $0xFFFFFF80  }
0x178: {  	[hbm4b:s5+s8] =	stream.linear.scatter [tilespmem:s26], [sflag:$0x7], $0x80, $0x38;
	[tilespmem:$0x1DB80] =	vst v63  }
0x179: {  	_ =	swait.ge [sflag:s25], $0x80  }
0x17a: {  	[sflag:s25] =	ssyncset.done $0x0  }
0x17b: {  	s28 =	simm.s32 $0x1D900;
	[sflag:s25] =	ssyncadd.s32 $0xFFFFFF80  }
0x17c: {  	[hbm4b:s7+s8] =	stream.linear.scatter [tilespmem:s28], [sflag:$0x7], $0x80, $0x38;
	[tilespmem:$0x1DB80] =	vst v63  }
0x17d: {  	_ =	swait.ge [sflag:s25], $0x80  }
0x17e: {  	[sflag:s25] =	ssyncset.done $0x0  }
0x17f: {  	s29 =	simm.s32 $0x1D980;
	[sflag:s25] =	ssyncadd.s32 $0xFFFFFF80  }
0x180: {  	[hbm4b:s4+s8] =	stream.linear.scatter [tilespmem:s29], [sflag:$0x7], $0x80, $0x38;
	[tilespmem:$0x1DB80] =	vst v63  }
0x181: {  	_ =	swait.ge [sflag:s25], $0x80  }
0x182: {  	[sflag:s25] =	ssyncset.done $0x0  }
0x183: {  	s30 =	simm.s32 $0x1DA80;
	[sflag:s25] =	ssyncadd.s32 $0xFFFFFF80  }
0x184: {  	[hbm4b:s6+s8] =	stream.linear.scatter [tilespmem:s30], [sflag:$0x7], $0x80, $0x38;
	[tilespmem:$0x1DB80] =	vst v63  }
0x185: {  	_ =	swait.ge [sflag:s25], $0x80  }
0x186: {  	[sflag:s25] =	ssyncset.done $0x0  }
0x187: {  	s31 =	simm.s32 $0x1DB00;
	[sflag:s25] =	ssyncadd.s32 $0xFFFFFF80  }
0x188: {  	[hbm4b:s2+s8] =	stream.linear.scatter [tilespmem:s31], [sflag:$0x7], $0x80, $0x38;
	[tilespmem:$0x1DB80] =	vst v63  }
0x189: {  	_ =	swait.ge [sflag:s25], $0x80  }
0x18a: {  	[sflag:s25] =	ssyncset.done $0x0  }
0x18b: {  	[sflag:s25] =	ssyncadd.s32 $0xFFFFFF80  }
.LBB2_15:
0x18c: {  	_ =	sfence.sel $0x180000  }
0x18d: {  	[bflag:$0x0] =	sbarrier.arrive $0xFFFF  }
0x18e: {  	p0 =	sne.s32 s1, $0x0;
	_ =	strace $0x90000047  }
0x18f: {  	s0 =	sadd.s32 @!p0 $0x100000, s0;
	[bflag:$0x2] =	sbarrier.arrive $0xFFFF  }
0x190: {  	[sflag:s0] =	ssyncadd.tile.s32 @!p0 $0x1;
	_ =	shalt  }
.LBB2_4:
.Ltmp8:
0x191: {  	(pc) =	sbr.rel .LBB2_11-.Ltmp8, $2  }
0x192: {  	_ =	sdelay $0x2  }
0x193: {  	_ = 	snop  }
.LBB2_6:
.Ltmp9:
0x194: {  	_ = 	snop;
	(pc) =	sbr.rel .LBB2_11-.Ltmp9, $2  }
0x195: {  	_ =	sdelay $0x2  }
0x196: {  	s9 =	simm.s32 $0x0;
	s8 =	simm.s32 $0x2;
	v3 =	vmov v8  }
.LBB2_8:
.Ltmp10:
0x197: {  	(pc) =	sbr.rel .LBB2_11-.Ltmp10, $2  }
0x198: {  	_ =	sdelay $0x2  }
0x199: {  	s8 =	simm.s32 $0x4;
	v7 =	vmov v5  }
.Lfunc_end2:
_tile_overlayer_lowered:
.L_overlay_start_2:
0x19a: {  	(tag) =	ssettag $0x2  }
0x19b: {  	s0 =	rddreg [dreg:$0x0];
	s2 =	stileid.u32  }
0x19c: {  	s1 =	rddreg [dreg:$0x1];
	p0 =	sne.s32 s2, $0x0  }
0x19d: {  	s3 =	rddreg [dreg:$0x2];
	[bflag:$0x3] =	sbarrier.arrive $0xFFFF;
	s2 =	simm.s32 @!p0 $0x1C07  }
0x19e: {  	[timem:s3], [sflag:s2] =	dma.local @!p0 [hbm:s0], s1  }
0x19f: {  	s0 =	simm.s32 @!p0 $0x7  }
0x1a0: {  	_ =	swait.ge @!p0 [sflag:s0], s1  }
0x1a1: {  	s1 =	ssub.s32 @!p0 $0x0, s1;
	[sflag:s0] =	ssyncset.done @!p0 $0x0  }
0x1a2: {  	[sflag:s0] =	ssyncadd.s32 @!p0 s1  }
0x1a3: {  	[bflag:$0x3] =	sbarrier.arrive $0xFFFF  }
0x1a4: {  	_ =	shalt  }

</sc_bundles>
